<compile_context>
chip_gen: v7x
topology: tpu7x:2x2x1
jax: 0.10.2.dev20260603
libtpu: 0.0.44.dev20260713+nightly
codegen_flags: <defaults>
</compile_context>

<pallas_src>
import functools

import jax
import jax.numpy as jnp
from jax import lax
from jax.experimental import pallas as pl
from jax.experimental.pallas import tpu as pltpu
from jax.experimental.pallas import tpu_sc as plsc

DIM = 64
B = 16384
L = 20
NW = 32
BROW_W = B // NW
NBLK = BROW_W // 128
NUNIT = L * NBLK
RB = 128 * DIM * 4
RUNROLL = 8

_mesh = plsc.VectorSubcoreMesh(core_axis_name="c", subcore_axis_name="s")


@functools.partial(
    pl.kernel,
    mesh=_mesh,
    out_type=jax.ShapeDtypeStruct((L, DIM // 8, B // 128, 8, 128),
                                  jnp.float32),
    scratch_types=[
        pltpu.VMEM((L, BROW_W), jnp.int32),
        pltpu.VMEM((128, DIM), jnp.float32),
        pltpu.VMEM((128, DIM), jnp.float32),
        pltpu.VMEM((DIM // 8, 1, 8, 129), jnp.float32),
        pltpu.VMEM((DIM // 8, 1, 8, 129), jnp.float32),
        pltpu.SemaphoreType.DMA,
        pltpu.SemaphoreType.DMA,
        pltpu.SemaphoreType.DMA,
        pltpu.SemaphoreType.DMA,
    ],
    compiler_params=pltpu.CompilerParams(use_tc_tiling_on_sc=False,
                                         needs_layout_passes=False),
)
def _emb_lookup(xt_hbm, table_hbm, out_hbm, idx_v, rows0, rows1, t0, t1,
                gsem0, gsem1, ssem0, ssem1):
    wid = lax.axis_index("s") * 2 + lax.axis_index("c")
    b_base = wid * BROW_W

    for li in range(L):
        pltpu.sync_copy(xt_hbm.at[pl.ds(li * B + b_base, BROW_W)],
                        idx_v.at[li])

    iota16 = lax.iota(jnp.int32, 16)
    zero16 = jnp.zeros((16,), jnp.int32)
    dt_vecs = [lax.shift_right_logical(k * 16 + iota16, 3)
               for k in range(DIM // 16)]
    di_vecs = [lax.bitwise_and(k * 16 + iota16, 7) for k in range(DIM // 16)]

    def unit_lk(u):
        l = u // NBLK
        k = u - l * NBLK
        return l, k

    def fire(u, rows_buf, sem):
        l, k = unit_lk(u)
        pltpu.async_copy(
            table_hbm.at[idx_v.at[l, pl.ds(k * 128, 128)]], rows_buf, sem)

    def wait_gather(rows_buf, sem):
        pltpu.make_async_copy(
            table_hbm.at[pl.ds(0, 128)], rows_buf, sem).wait()

    def transpose(rows_buf, t_buf):
        @plsc.parallel_loop(0, 128, step=1, unroll=RUNROLL)
        def rbody(r):
            bi = jnp.broadcast_to(r, (16,)).astype(jnp.int32)
            for k in range(DIM // 16):
                vals = rows_buf[r, pl.ds(k * 16, 16)]
                plsc.store_scatter(
                    t_buf, [dt_vecs[k], zero16, di_vecs[k], bi], vals)

    def store(u, t_buf, sem):
        l, k = unit_lk(u)
        pltpu.async_copy(
            t_buf.at[:, :, :, pl.ds(0, 128)],
            out_hbm.at[l].at[:, pl.ds(wid * NBLK + k, 1)], sem)

    def wait_store(t_buf, sem):
        pltpu.make_async_copy(
            t_buf.at[:, :, :, pl.ds(0, 128)],
            out_hbm.at[0].at[:, pl.ds(0, 1)], sem).wait()

    fire(0, rows0, gsem0)
    fire(1, rows1, gsem1)

    def body(h, carry):
        u0 = 2 * h
        wait_gather(rows0, gsem0)

        @pl.when(h > 0)
        def _():
            wait_store(t0, ssem0)

        transpose(rows0, t0)
        store(u0, t0, ssem0)
        fire(jnp.minimum(u0 + 2, NUNIT - 1), rows0, gsem0)
        wait_gather(rows1, gsem1)

        @pl.when(h > 0)
        def _():
            wait_store(t1, ssem1)

        transpose(rows1, t1)
        store(u0 + 1, t1, ssem1)
        fire(jnp.minimum(u0 + 3, NUNIT - 1), rows1, gsem1)
        return carry

    lax.fori_loop(0, NUNIT // 2, body, 0)

    wait_gather(rows0, gsem0)
    wait_gather(rows1, gsem1)
    wait_store(t0, ssem0)
    wait_store(t1, ssem1)


def kernel(x, table):
    xt = jnp.swapaxes(x.astype(jnp.int32), 0, 1).reshape(-1)
    y5 = _emb_lookup(xt, table)
    return jnp.transpose(y5, (2, 4, 0, 1, 3)).reshape(B, L, DIM)

# --- scband reference (transcript-rebuilt; emitter-appended) ---
"""Pipeline reference for scband-word-embedding-25383256719474 (READ-ONLY COPY).

The authoritative reference and input builder live on the scoring server;
editing this copy changes nothing except your own understanding.
"""

import jax, jax.numpy as jnp
import numpy as np

NTOKEN = 100000
DIM = 64
B = 16384
L = 20

def setup_inputs(seed: int = 0) -> dict:
    key = jax.random.key(seed)
    k1, k2 = jax.random.split(key)
    x = jax.random.randint(k1, (B, L), 0, NTOKEN)
    # Embedding table has ntoken+1 rows; last row is the padding index and is zeroed
    table = jax.random.normal(k2, (NTOKEN + 1, DIM), dtype=jnp.float32) * 0.02
    table = table.at[NTOKEN].set(0.0)
    return {"x": x, "table": table}

def reference(x, table):
    # WordEmbedding.forward: dropout(emb(x)); dropout p=0.0 is identity (eval mode)
    return jnp.take(table, x, axis=0)

if __name__ == "__main__":
    import jax
    _d = setup_inputs()
    print(jax.jit(kernel)(*tuple(_d.values())))

</pallas_src>

<mosaic_0001>
#map = affine_map<(d0, d1) -> (0)>
#map1 = affine_map<(d0, d1) -> (0, 0)>
#map2 = affine_map<(d0, d1) -> (0, 0, 0, 0, 0)>
module attributes {stable_mosaic.version = 14 : i64} {
  func.func @_emb_lookup(%arg0: i32, %arg1: i32, %arg2: memref<327680xi32, #tpu.memory_space<hbm>>, %arg3: memref<100001x64xf32, #tpu.memory_space<hbm>>, %arg4: memref<20x8x128x8x128xf32, #tpu.memory_space<hbm>>, %arg5: memref<20x512xi32, #tpu.memory_space<vmem>>, %arg6: memref<128x64xf32, #tpu.memory_space<vmem>>, %arg7: memref<128x64xf32, #tpu.memory_space<vmem>>, %arg8: memref<8x1x8x129xf32, #tpu.memory_space<vmem>>, %arg9: memref<8x1x8x129xf32, #tpu.memory_space<vmem>>, %arg10: memref<!tpu.dma_semaphore, #tpu.memory_space<semaphore_mem>>, %arg11: memref<!tpu.dma_semaphore, #tpu.memory_space<semaphore_mem>>, %arg12: memref<!tpu.dma_semaphore, #tpu.memory_space<semaphore_mem>>, %arg13: memref<!tpu.dma_semaphore, #tpu.memory_space<semaphore_mem>>) attributes {dimension_semantics = [#tpu.dimension_semantics<core_parallel>, #tpu.dimension_semantics<subcore_parallel>], iteration_bounds = array<i64: 2, 16>, scalar_prefetch = 0 : i64, scratch_operands = 9 : i64, tpu.core_type = #tpu.core_type<sc_vector_subcore>, window_params = [{transform_indices = #map}, {transform_indices = #map1}, {transform_indices = #map2}]} {
    %mul3A = arith.constant 2 : i32
    %mul3A_0 = arith.muli %arg1, %mul3A : i32
    %add3A = arith.addi %mul3A_0, %arg0 : i32
    %mul3A_1 = arith.constant 512 : i32
    %mul3A_2 = arith.muli %add3A, %mul3A_1 : i32
    %add3A_3 = arith.constant 0 : i32
    %add3A_4 = arith.addi %add3A_3, %mul3A_2 : i32
    %run_scoped3A = arith.constant 0 : i32
    "tpu.region"() ({
      %run_scoped3A_204 = tpu.sem_alloc : memref<!tpu.dma_semaphore, #tpu.memory_space<semaphore_mem>>
      %dma_start3A_205 = arith.constant 0 : i32
      %dma_start3A_206 = tpu.memref_slice %arg5[%run_scoped3A, %dma_start3A_205] : memref<20x512xi32, #tpu.memory_space<vmem>> -> memref<1x512xi32, #tpu.memory_space<vmem>>
      %dma_start3A_207 = tpu.memref_squeeze %dma_start3A_206 : memref<1x512xi32, #tpu.memory_space<vmem>> -> memref<512xi32, #tpu.memory_space<vmem>>
      %dma_start3A_208 = tpu.memref_slice %arg2[%add3A_4] : memref<327680xi32, #tpu.memory_space<hbm>> -> memref<512xi32, #tpu.memory_space<hbm>>
      %dma_start3A_209 = arith.constant 0 : i32
      %dma_start3A_210 = tpu.memref_slice %arg5[%run_scoped3A, %dma_start3A_209] : memref<20x512xi32, #tpu.memory_space<vmem>> -> memref<1x512xi32, #tpu.memory_space<vmem>>
      %dma_start3A_211 = tpu.memref_squeeze %dma_start3A_210 : memref<1x512xi32, #tpu.memory_space<vmem>> -> memref<512xi32, #tpu.memory_space<vmem>>
      %dma_start3A_212 = tpu.memref_slice %arg2[%add3A_4] : memref<327680xi32, #tpu.memory_space<hbm>> -> memref<512xi32, #tpu.memory_space<hbm>>
      tpu.enqueue_dma source(%dma_start3A_212 : memref<512xi32, #tpu.memory_space<hbm>>) target(%dma_start3A_211 : memref<512xi32, #tpu.memory_space<vmem>>) target_semaphore(%run_scoped3A_204 : memref<!tpu.dma_semaphore, #tpu.memory_space<semaphore_mem>>)
      %dma_wait3A_213 = arith.constant 0 : i32
      %dma_wait3A_214 = tpu.memref_slice %arg5[%run_scoped3A, %dma_wait3A_213] : memref<20x512xi32, #tpu.memory_space<vmem>> -> memref<1x512xi32, #tpu.memory_space<vmem>>
      %dma_wait3A_215 = tpu.memref_squeeze %dma_wait3A_214 : memref<1x512xi32, #tpu.memory_space<vmem>> -> memref<512xi32, #tpu.memory_space<vmem>>
      %dma_wait3A_216 = tpu.memref_slice %arg2[%add3A_4] : memref<327680xi32, #tpu.memory_space<hbm>> -> memref<512xi32, #tpu.memory_space<hbm>>
      %dma_wait3A_217 = arith.constant 0 : i32
      %dma_wait3A_218 = tpu.memref_slice %arg5[%run_scoped3A, %dma_wait3A_217] : memref<20x512xi32, #tpu.memory_space<vmem>> -> memref<1x512xi32, #tpu.memory_space<vmem>>
      %dma_wait3A_219 = tpu.memref_squeeze %dma_wait3A_218 : memref<1x512xi32, #tpu.memory_space<vmem>> -> memref<512xi32, #tpu.memory_space<vmem>>
      %dma_wait3A_220 = tpu.memref_slice %arg2[%add3A_4] : memref<327680xi32, #tpu.memory_space<hbm>> -> memref<512xi32, #tpu.memory_space<hbm>>
      tpu.wait_dma2 semaphore(%run_scoped3A_204 : memref<!tpu.dma_semaphore, #tpu.memory_space<semaphore_mem>>) src(%dma_wait3A_220 : memref<512xi32, #tpu.memory_space<hbm>>) dst(%dma_wait3A_219 : memref<512xi32, #tpu.memory_space<vmem>>)
      tpu.yield
    }) : () -> ()
    %add3A_5 = arith.constant 16384 : i32
    %add3A_6 = arith.addi %add3A_5, %mul3A_2 : i32
    %run_scoped3A_7 = arith.constant 1 : i32
    "tpu.region"() ({
      %run_scoped3A_204 = tpu.sem_alloc : memref<!tpu.dma_semaphore, #tpu.memory_space<semaphore_mem>>
      %dma_start3A_205 = arith.constant 0 : i32
      %dma_start3A_206 = tpu.memref_slice %arg5[%run_scoped3A_7, %dma_start3A_205] : memref<20x512xi32, #tpu.memory_space<vmem>> -> memref<1x512xi32, #tpu.memory_space<vmem>>
      %dma_start3A_207 = tpu.memref_squeeze %dma_start3A_206 : memref<1x512xi32, #tpu.memory_space<vmem>> -> memref<512xi32, #tpu.memory_space<vmem>>
      %dma_start3A_208 = tpu.memref_slice %arg2[%add3A_6] : memref<327680xi32, #tpu.memory_space<hbm>> -> memref<512xi32, #tpu.memory_space<hbm>>
      %dma_start3A_209 = arith.constant 0 : i32
      %dma_start3A_210 = tpu.memref_slice %arg5[%run_scoped3A_7, %dma_start3A_209] : memref<20x512xi32, #tpu.memory_space<vmem>> -> memref<1x512xi32, #tpu.memory_space<vmem>>
      %dma_start3A_211 = tpu.memref_squeeze %dma_start3A_210 : memref<1x512xi32, #tpu.memory_space<vmem>> -> memref<512xi32, #tpu.memory_space<vmem>>
      %dma_start3A_212 = tpu.memref_slice %arg2[%add3A_6] : memref<327680xi32, #tpu.memory_space<hbm>> -> memref<512xi32, #tpu.memory_space<hbm>>
      tpu.enqueue_dma source(%dma_start3A_212 : memref<512xi32, #tpu.memory_space<hbm>>) target(%dma_start3A_211 : memref<512xi32, #tpu.memory_space<vmem>>) target_semaphore(%run_scoped3A_204 : memref<!tpu.dma_semaphore, #tpu.memory_space<semaphore_mem>>)
      %dma_wait3A_213 = arith.constant 0 : i32
      %dma_wait3A_214 = tpu.memref_slice %arg5[%run_scoped3A_7, %dma_wait3A_213] : memref<20x512xi32, #tpu.memory_space<vmem>> -> memref<1x512xi32, #tpu.memory_space<vmem>>
      %dma_wait3A_215 = tpu.memref_squeeze %dma_wait3A_214 : memref<1x512xi32, #tpu.memory_space<vmem>> -> memref<512xi32, #tpu.memory_space<vmem>>
      %dma_wait3A_216 = tpu.memref_slice %arg2[%add3A_6] : memref<327680xi32, #tpu.memory_space<hbm>> -> memref<512xi32, #tpu.memory_space<hbm>>
      %dma_wait3A_217 = arith.constant 0 : i32
      %dma_wait3A_218 = tpu.memref_slice %arg5[%run_scoped3A_7, %dma_wait3A_217] : memref<20x512xi32, #tpu.memory_space<vmem>> -> memref<1x512xi32, #tpu.memory_space<vmem>>
      %dma_wait3A_219 = tpu.memref_squeeze %dma_wait3A_218 : memref<1x512xi32, #tpu.memory_space<vmem>> -> memref<512xi32, #tpu.memory_space<vmem>>
      %dma_wait3A_220 = tpu.memref_slice %arg2[%add3A_6] : memref<327680xi32, #tpu.memory_space<hbm>> -> memref<512xi32, #tpu.memory_space<hbm>>
      tpu.wait_dma2 semaphore(%run_scoped3A_204 : memref<!tpu.dma_semaphore, #tpu.memory_space<semaphore_mem>>) src(%dma_wait3A_220 : memref<512xi32, #tpu.memory_space<hbm>>) dst(%dma_wait3A_219 : memref<512xi32, #tpu.memory_space<vmem>>)
      tpu.yield
    }) : () -> ()
    %add3A_8 = arith.constant 32768 : i32
    %add3A_9 = arith.addi %add3A_8, %mul3A_2 : i32
    %run_scoped3A_10 = arith.constant 2 : i32
    "tpu.region"() ({
      %run_scoped3A_204 = tpu.sem_alloc : memref<!tpu.dma_semaphore, #tpu.memory_space<semaphore_mem>>
      %dma_start3A_205 = arith.constant 0 : i32
      %dma_start3A_206 = tpu.memref_slice %arg5[%run_scoped3A_10, %dma_start3A_205] : memref<20x512xi32, #tpu.memory_space<vmem>> -> memref<1x512xi32, #tpu.memory_space<vmem>>
      %dma_start3A_207 = tpu.memref_squeeze %dma_start3A_206 : memref<1x512xi32, #tpu.memory_space<vmem>> -> memref<512xi32, #tpu.memory_space<vmem>>
      %dma_start3A_208 = tpu.memref_slice %arg2[%add3A_9] : memref<327680xi32, #tpu.memory_space<hbm>> -> memref<512xi32, #tpu.memory_space<hbm>>
      %dma_start3A_209 = arith.constant 0 : i32
      %dma_start3A_210 = tpu.memref_slice %arg5[%run_scoped3A_10, %dma_start3A_209] : memref<20x512xi32, #tpu.memory_space<vmem>> -> memref<1x512xi32, #tpu.memory_space<vmem>>
      %dma_start3A_211 = tpu.memref_squeeze %dma_start3A_210 : memref<1x512xi32, #tpu.memory_space<vmem>> -> memref<512xi32, #tpu.memory_space<vmem>>
      %dma_start3A_212 = tpu.memref_slice %arg2[%add3A_9] : memref<327680xi32, #tpu.memory_space<hbm>> -> memref<512xi32, #tpu.memory_space<hbm>>
      tpu.enqueue_dma source(%dma_start3A_212 : memref<512xi32, #tpu.memory_space<hbm>>) target(%dma_start3A_211 : memref<512xi32, #tpu.memory_space<vmem>>) target_semaphore(%run_scoped3A_204 : memref<!tpu.dma_semaphore, #tpu.memory_space<semaphore_mem>>)
      %dma_wait3A_213 = arith.constant 0 : i32
      %dma_wait3A_214 = tpu.memref_slice %arg5[%run_scoped3A_10, %dma_wait3A_213] : memref<20x512xi32, #tpu.memory_space<vmem>> -> memref<1x512xi32, #tpu.memory_space<vmem>>
      %dma_wait3A_215 = tpu.memref_squeeze %dma_wait3A_214 : memref<1x512xi32, #tpu.memory_space<vmem>> -> memref<512xi32, #tpu.memory_space<vmem>>
      %dma_wait3A_216 = tpu.memref_slice %arg2[%add3A_9] : memref<327680xi32, #tpu.memory_space<hbm>> -> memref<512xi32, #tpu.memory_space<hbm>>
      %dma_wait3A_217 = arith.constant 0 : i32
      %dma_wait3A_218 = tpu.memref_slice %arg5[%run_scoped3A_10, %dma_wait3A_217] : memref<20x512xi32, #tpu.memory_space<vmem>> -> memref<1x512xi32, #tpu.memory_space<vmem>>
      %dma_wait3A_219 = tpu.memref_squeeze %dma_wait3A_218 : memref<1x512xi32, #tpu.memory_space<vmem>> -> memref<512xi32, #tpu.memory_space<vmem>>
      %dma_wait3A_220 = tpu.memref_slice %arg2[%add3A_9] : memref<327680xi32, #tpu.memory_space<hbm>> -> memref<512xi32, #tpu.memory_space<hbm>>
      tpu.wait_dma2 semaphore(%run_scoped3A_204 : memref<!tpu.dma_semaphore, #tpu.memory_space<semaphore_mem>>) src(%dma_wait3A_220 : memref<512xi32, #tpu.memory_space<hbm>>) dst(%dma_wait3A_219 : memref<512xi32, #tpu.memory_space<vmem>>)
      tpu.yield
    }) : () -> ()
    %add3A_11 = arith.constant 49152 : i32
    %add3A_12 = arith.addi %add3A_11, %mul3A_2 : i32
    %run_scoped3A_13 = arith.constant 3 : i32
    "tpu.region"() ({
      %run_scoped3A_204 = tpu.sem_alloc : memref<!tpu.dma_semaphore, #tpu.memory_space<semaphore_mem>>
      %dma_start3A_205 = arith.constant 0 : i32
      %dma_start3A_206 = tpu.memref_slice %arg5[%run_scoped3A_13, %dma_start3A_205] : memref<20x512xi32, #tpu.memory_space<vmem>> -> memref<1x512xi32, #tpu.memory_space<vmem>>
      %dma_start3A_207 = tpu.memref_squeeze %dma_start3A_206 : memref<1x512xi32, #tpu.memory_space<vmem>> -> memref<512xi32, #tpu.memory_space<vmem>>
      %dma_start3A_208 = tpu.memref_slice %arg2[%add3A_12] : memref<327680xi32, #tpu.memory_space<hbm>> -> memref<512xi32, #tpu.memory_space<hbm>>
      %dma_start3A_209 = arith.constant 0 : i32
      %dma_start3A_210 = tpu.memref_slice %arg5[%run_scoped3A_13, %dma_start3A_209] : memref<20x512xi32, #tpu.memory_space<vmem>> -> memref<1x512xi32, #tpu.memory_space<vmem>>
      %dma_start3A_211 = tpu.memref_squeeze %dma_start3A_210 : memref<1x512xi32, #tpu.memory_space<vmem>> -> memref<512xi32, #tpu.memory_space<vmem>>
      %dma_start3A_212 = tpu.memref_slice %arg2[%add3A_12] : memref<327680xi32, #tpu.memory_space<hbm>> -> memref<512xi32, #tpu.memory_space<hbm>>
      tpu.enqueue_dma source(%dma_start3A_212 : memref<512xi32, #tpu.memory_space<hbm>>) target(%dma_start3A_211 : memref<512xi32, #tpu.memory_space<vmem>>) target_semaphore(%run_scoped3A_204 : memref<!tpu.dma_semaphore, #tpu.memory_space<semaphore_mem>>)
      %dma_wait3A_213 = arith.constant 0 : i32
      %dma_wait3A_214 = tpu.memref_slice %arg5[%run_scoped3A_13, %dma_wait3A_213] : memref<20x512xi32, #tpu.memory_space<vmem>> -> memref<1x512xi32, #tpu.memory_space<vmem>>
      %dma_wait3A_215 = tpu.memref_squeeze %dma_wait3A_214 : memref<1x512xi32, #tpu.memory_space<vmem>> -> memref<512xi32, #tpu.memory_space<vmem>>
      %dma_wait3A_216 = tpu.memref_slice %arg2[%add3A_12] : memref<327680xi32, #tpu.memory_space<hbm>> -> memref<512xi32, #tpu.memory_space<hbm>>
      %dma_wait3A_217 = arith.constant 0 : i32
      %dma_wait3A_218 = tpu.memref_slice %arg5[%run_scoped3A_13, %dma_wait3A_217] : memref<20x512xi32, #tpu.memory_space<vmem>> -> memref<1x512xi32, #tpu.memory_space<vmem>>
      %dma_wait3A_219 = tpu.memref_squeeze %dma_wait3A_218 : memref<1x512xi32, #tpu.memory_space<vmem>> -> memref<512xi32, #tpu.memory_space<vmem>>
      %dma_wait3A_220 = tpu.memref_slice %arg2[%add3A_12] : memref<327680xi32, #tpu.memory_space<hbm>> -> memref<512xi32, #tpu.memory_space<hbm>>
      tpu.wait_dma2 semaphore(%run_scoped3A_204 : memref<!tpu.dma_semaphore, #tpu.memory_space<semaphore_mem>>) src(%dma_wait3A_220 : memref<512xi32, #tpu.memory_space<hbm>>) dst(%dma_wait3A_219 : memref<512xi32, #tpu.memory_space<vmem>>)
      tpu.yield
    }) : () -> ()
    %add3A_14 = arith.constant 65536 : i32
    %add3A_15 = arith.addi %add3A_14, %mul3A_2 : i32
    %run_scoped3A_16 = arith.constant 4 : i32
    "tpu.region"() ({
      %run_scoped3A_204 = tpu.sem_alloc : memref<!tpu.dma_semaphore, #tpu.memory_space<semaphore_mem>>
      %dma_start3A_205 = arith.constant 0 : i32
      %dma_start3A_206 = tpu.memref_slice %arg5[%run_scoped3A_16, %dma_start3A_205] : memref<20x512xi32, #tpu.memory_space<vmem>> -> memref<1x512xi32, #tpu.memory_space<vmem>>
      %dma_start3A_207 = tpu.memref_squeeze %dma_start3A_206 : memref<1x512xi32, #tpu.memory_space<vmem>> -> memref<512xi32, #tpu.memory_space<vmem>>
      %dma_start3A_208 = tpu.memref_slice %arg2[%add3A_15] : memref<327680xi32, #tpu.memory_space<hbm>> -> memref<512xi32, #tpu.memory_space<hbm>>
      %dma_start3A_209 = arith.constant 0 : i32
      %dma_start3A_210 = tpu.memref_slice %arg5[%run_scoped3A_16, %dma_start3A_209] : memref<20x512xi32, #tpu.memory_space<vmem>> -> memref<1x512xi32, #tpu.memory_space<vmem>>
      %dma_start3A_211 = tpu.memref_squeeze %dma_start3A_210 : memref<1x512xi32, #tpu.memory_space<vmem>> -> memref<512xi32, #tpu.memory_space<vmem>>
      %dma_start3A_212 = tpu.memref_slice %arg2[%add3A_15] : memref<327680xi32, #tpu.memory_space<hbm>> -> memref<512xi32, #tpu.memory_space<hbm>>
      tpu.enqueue_dma source(%dma_start3A_212 : memref<512xi32, #tpu.memory_space<hbm>>) target(%dma_start3A_211 : memref<512xi32, #tpu.memory_space<vmem>>) target_semaphore(%run_scoped3A_204 : memref<!tpu.dma_semaphore, #tpu.memory_space<semaphore_mem>>)
      %dma_wait3A_213 = arith.constant 0 : i32
      %dma_wait3A_214 = tpu.memref_slice %arg5[%run_scoped3A_16, %dma_wait3A_213] : memref<20x512xi32, #tpu.memory_space<vmem>> -> memref<1x512xi32, #tpu.memory_space<vmem>>
      %dma_wait3A_215 = tpu.memref_squeeze %dma_wait3A_214 : memref<1x512xi32, #tpu.memory_space<vmem>> -> memref<512xi32, #tpu.memory_space<vmem>>
      %dma_wait3A_216 = tpu.memref_slice %arg2[%add3A_15] : memref<327680xi32, #tpu.memory_space<hbm>> -> memref<512xi32, #tpu.memory_space<hbm>>
      %dma_wait3A_217 = arith.constant 0 : i32
      %dma_wait3A_218 = tpu.memref_slice %arg5[%run_scoped3A_16, %dma_wait3A_217] : memref<20x512xi32, #tpu.memory_space<vmem>> -> memref<1x512xi32, #tpu.memory_space<vmem>>
      %dma_wait3A_219 = tpu.memref_squeeze %dma_wait3A_218 : memref<1x512xi32, #tpu.memory_space<vmem>> -> memref<512xi32, #tpu.memory_space<vmem>>
      %dma_wait3A_220 = tpu.memref_slice %arg2[%add3A_15] : memref<327680xi32, #tpu.memory_space<hbm>> -> memref<512xi32, #tpu.memory_space<hbm>>
      tpu.wait_dma2 semaphore(%run_scoped3A_204 : memref<!tpu.dma_semaphore, #tpu.memory_space<semaphore_mem>>) src(%dma_wait3A_220 : memref<512xi32, #tpu.memory_space<hbm>>) dst(%dma_wait3A_219 : memref<512xi32, #tpu.memory_space<vmem>>)
      tpu.yield
    }) : () -> ()
    %add3A_17 = arith.constant 81920 : i32
    %add3A_18 = arith.addi %add3A_17, %mul3A_2 : i32
    %run_scoped3A_19 = arith.constant 5 : i32
    "tpu.region"() ({
      %run_scoped3A_204 = tpu.sem_alloc : memref<!tpu.dma_semaphore, #tpu.memory_space<semaphore_mem>>
      %dma_start3A_205 = arith.constant 0 : i32
      %dma_start3A_206 = tpu.memref_slice %arg5[%run_scoped3A_19, %dma_start3A_205] : memref<20x512xi32, #tpu.memory_space<vmem>> -> memref<1x512xi32, #tpu.memory_space<vmem>>
      %dma_start3A_207 = tpu.memref_squeeze %dma_start3A_206 : memref<1x512xi32, #tpu.memory_space<vmem>> -> memref<512xi32, #tpu.memory_space<vmem>>
      %dma_start3A_208 = tpu.memref_slice %arg2[%add3A_18] : memref<327680xi32, #tpu.memory_space<hbm>> -> memref<512xi32, #tpu.memory_space<hbm>>
      %dma_start3A_209 = arith.constant 0 : i32
      %dma_start3A_210 = tpu.memref_slice %arg5[%run_scoped3A_19, %dma_start3A_209] : memref<20x512xi32, #tpu.memory_space<vmem>> -> memref<1x512xi32, #tpu.memory_space<vmem>>
      %dma_start3A_211 = tpu.memref_squeeze %dma_start3A_210 : memref<1x512xi32, #tpu.memory_space<vmem>> -> memref<512xi32, #tpu.memory_space<vmem>>
      %dma_start3A_212 = tpu.memref_slice %arg2[%add3A_18] : memref<327680xi32, #tpu.memory_space<hbm>> -> memref<512xi32, #tpu.memory_space<hbm>>
      tpu.enqueue_dma source(%dma_start3A_212 : memref<512xi32, #tpu.memory_space<hbm>>) target(%dma_start3A_211 : memref<512xi32, #tpu.memory_space<vmem>>) target_semaphore(%run_scoped3A_204 : memref<!tpu.dma_semaphore, #tpu.memory_space<semaphore_mem>>)
      %dma_wait3A_213 = arith.constant 0 : i32
      %dma_wait3A_214 = tpu.memref_slice %arg5[%run_scoped3A_19, %dma_wait3A_213] : memref<20x512xi32, #tpu.memory_space<vmem>> -> memref<1x512xi32, #tpu.memory_space<vmem>>
      %dma_wait3A_215 = tpu.memref_squeeze %dma_wait3A_214 : memref<1x512xi32, #tpu.memory_space<vmem>> -> memref<512xi32, #tpu.memory_space<vmem>>
      %dma_wait3A_216 = tpu.memref_slice %arg2[%add3A_18] : memref<327680xi32, #tpu.memory_space<hbm>> -> memref<512xi32, #tpu.memory_space<hbm>>
      %dma_wait3A_217 = arith.constant 0 : i32
      %dma_wait3A_218 = tpu.memref_slice %arg5[%run_scoped3A_19, %dma_wait3A_217] : memref<20x512xi32, #tpu.memory_space<vmem>> -> memref<1x512xi32, #tpu.memory_space<vmem>>
      %dma_wait3A_219 = tpu.memref_squeeze %dma_wait3A_218 : memref<1x512xi32, #tpu.memory_space<vmem>> -> memref<512xi32, #tpu.memory_space<vmem>>
      %dma_wait3A_220 = tpu.memref_slice %arg2[%add3A_18] : memref<327680xi32, #tpu.memory_space<hbm>> -> memref<512xi32, #tpu.memory_space<hbm>>
      tpu.wait_dma2 semaphore(%run_scoped3A_204 : memref<!tpu.dma_semaphore, #tpu.memory_space<semaphore_mem>>) src(%dma_wait3A_220 : memref<512xi32, #tpu.memory_space<hbm>>) dst(%dma_wait3A_219 : memref<512xi32, #tpu.memory_space<vmem>>)
      tpu.yield
    }) : () -> ()
    %add3A_20 = arith.constant 98304 : i32
    %add3A_21 = arith.addi %add3A_20, %mul3A_2 : i32
    %run_scoped3A_22 = arith.constant 6 : i32
    "tpu.region"() ({
      %run_scoped3A_204 = tpu.sem_alloc : memref<!tpu.dma_semaphore, #tpu.memory_space<semaphore_mem>>
      %dma_start3A_205 = arith.constant 0 : i32
      %dma_start3A_206 = tpu.memref_slice %arg5[%run_scoped3A_22, %dma_start3A_205] : memref<20x512xi32, #tpu.memory_space<vmem>> -> memref<1x512xi32, #tpu.memory_space<vmem>>
      %dma_start3A_207 = tpu.memref_squeeze %dma_start3A_206 : memref<1x512xi32, #tpu.memory_space<vmem>> -> memref<512xi32, #tpu.memory_space<vmem>>
      %dma_start3A_208 = tpu.memref_slice %arg2[%add3A_21] : memref<327680xi32, #tpu.memory_space<hbm>> -> memref<512xi32, #tpu.memory_space<hbm>>
      %dma_start3A_209 = arith.constant 0 : i32
      %dma_start3A_210 = tpu.memref_slice %arg5[%run_scoped3A_22, %dma_start3A_209] : memref<20x512xi32, #tpu.memory_space<vmem>> -> memref<1x512xi32, #tpu.memory_space<vmem>>
      %dma_start3A_211 = tpu.memref_squeeze %dma_start3A_210 : memref<1x512xi32, #tpu.memory_space<vmem>> -> memref<512xi32, #tpu.memory_space<vmem>>
      %dma_start3A_212 = tpu.memref_slice %arg2[%add3A_21] : memref<327680xi32, #tpu.memory_space<hbm>> -> memref<512xi32, #tpu.memory_space<hbm>>
      tpu.enqueue_dma source(%dma_start3A_212 : memref<512xi32, #tpu.memory_space<hbm>>) target(%dma_start3A_211 : memref<512xi32, #tpu.memory_space<vmem>>) target_semaphore(%run_scoped3A_204 : memref<!tpu.dma_semaphore, #tpu.memory_space<semaphore_mem>>)
      %dma_wait3A_213 = arith.constant 0 : i32
      %dma_wait3A_214 = tpu.memref_slice %arg5[%run_scoped3A_22, %dma_wait3A_213] : memref<20x512xi32, #tpu.memory_space<vmem>> -> memref<1x512xi32, #tpu.memory_space<vmem>>
      %dma_wait3A_215 = tpu.memref_squeeze %dma_wait3A_214 : memref<1x512xi32, #tpu.memory_space<vmem>> -> memref<512xi32, #tpu.memory_space<vmem>>
      %dma_wait3A_216 = tpu.memref_slice %arg2[%add3A_21] : memref<327680xi32, #tpu.memory_space<hbm>> -> memref<512xi32, #tpu.memory_space<hbm>>
      %dma_wait3A_217 = arith.constant 0 : i32
      %dma_wait3A_218 = tpu.memref_slice %arg5[%run_scoped3A_22, %dma_wait3A_217] : memref<20x512xi32, #tpu.memory_space<vmem>> -> memref<1x512xi32, #tpu.memory_space<vmem>>
      %dma_wait3A_219 = tpu.memref_squeeze %dma_wait3A_218 : memref<1x512xi32, #tpu.memory_space<vmem>> -> memref<512xi32, #tpu.memory_space<vmem>>
      %dma_wait3A_220 = tpu.memref_slice %arg2[%add3A_21] : memref<327680xi32, #tpu.memory_space<hbm>> -> memref<512xi32, #tpu.memory_space<hbm>>
      tpu.wait_dma2 semaphore(%run_scoped3A_204 : memref<!tpu.dma_semaphore, #tpu.memory_space<semaphore_mem>>) src(%dma_wait3A_220 : memref<512xi32, #tpu.memory_space<hbm>>) dst(%dma_wait3A_219 : memref<512xi32, #tpu.memory_space<vmem>>)
      tpu.yield
    }) : () -> ()
    %add3A_23 = arith.constant 114688 : i32
    %add3A_24 = arith.addi %add3A_23, %mul3A_2 : i32
    %run_scoped3A_25 = arith.constant 7 : i32
    "tpu.region"() ({
      %run_scoped3A_204 = tpu.sem_alloc : memref<!tpu.dma_semaphore, #tpu.memory_space<semaphore_mem>>
      %dma_start3A_205 = arith.constant 0 : i32
      %dma_start3A_206 = tpu.memref_slice %arg5[%run_scoped3A_25, %dma_start3A_205] : memref<20x512xi32, #tpu.memory_space<vmem>> -> memref<1x512xi32, #tpu.memory_space<vmem>>
      %dma_start3A_207 = tpu.memref_squeeze %dma_start3A_206 : memref<1x512xi32, #tpu.memory_space<vmem>> -> memref<512xi32, #tpu.memory_space<vmem>>
      %dma_start3A_208 = tpu.memref_slice %arg2[%add3A_24] : memref<327680xi32, #tpu.memory_space<hbm>> -> memref<512xi32, #tpu.memory_space<hbm>>
      %dma_start3A_209 = arith.constant 0 : i32
      %dma_start3A_210 = tpu.memref_slice %arg5[%run_scoped3A_25, %dma_start3A_209] : memref<20x512xi32, #tpu.memory_space<vmem>> -> memref<1x512xi32, #tpu.memory_space<vmem>>
      %dma_start3A_211 = tpu.memref_squeeze %dma_start3A_210 : memref<1x512xi32, #tpu.memory_space<vmem>> -> memref<512xi32, #tpu.memory_space<vmem>>
      %dma_start3A_212 = tpu.memref_slice %arg2[%add3A_24] : memref<327680xi32, #tpu.memory_space<hbm>> -> memref<512xi32, #tpu.memory_space<hbm>>
      tpu.enqueue_dma source(%dma_start3A_212 : memref<512xi32, #tpu.memory_space<hbm>>) target(%dma_start3A_211 : memref<512xi32, #tpu.memory_space<vmem>>) target_semaphore(%run_scoped3A_204 : memref<!tpu.dma_semaphore, #tpu.memory_space<semaphore_mem>>)
      %dma_wait3A_213 = arith.constant 0 : i32
      %dma_wait3A_214 = tpu.memref_slice %arg5[%run_scoped3A_25, %dma_wait3A_213] : memref<20x512xi32, #tpu.memory_space<vmem>> -> memref<1x512xi32, #tpu.memory_space<vmem>>
      %dma_wait3A_215 = tpu.memref_squeeze %dma_wait3A_214 : memref<1x512xi32, #tpu.memory_space<vmem>> -> memref<512xi32, #tpu.memory_space<vmem>>
      %dma_wait3A_216 = tpu.memref_slice %arg2[%add3A_24] : memref<327680xi32, #tpu.memory_space<hbm>> -> memref<512xi32, #tpu.memory_space<hbm>>
      %dma_wait3A_217 = arith.constant 0 : i32
      %dma_wait3A_218 = tpu.memref_slice %arg5[%run_scoped3A_25, %dma_wait3A_217] : memref<20x512xi32, #tpu.memory_space<vmem>> -> memref<1x512xi32, #tpu.memory_space<vmem>>
      %dma_wait3A_219 = tpu.memref_squeeze %dma_wait3A_218 : memref<1x512xi32, #tpu.memory_space<vmem>> -> memref<512xi32, #tpu.memory_space<vmem>>
      %dma_wait3A_220 = tpu.memref_slice %arg2[%add3A_24] : memref<327680xi32, #tpu.memory_space<hbm>> -> memref<512xi32, #tpu.memory_space<hbm>>
      tpu.wait_dma2 semaphore(%run_scoped3A_204 : memref<!tpu.dma_semaphore, #tpu.memory_space<semaphore_mem>>) src(%dma_wait3A_220 : memref<512xi32, #tpu.memory_space<hbm>>) dst(%dma_wait3A_219 : memref<512xi32, #tpu.memory_space<vmem>>)
      tpu.yield
    }) : () -> ()
    %add3A_26 = arith.constant 131072 : i32
    %add3A_27 = arith.addi %add3A_26, %mul3A_2 : i32
    %run_scoped3A_28 = arith.constant 8 : i32
    "tpu.region"() ({
      %run_scoped3A_204 = tpu.sem_alloc : memref<!tpu.dma_semaphore, #tpu.memory_space<semaphore_mem>>
      %dma_start3A_205 = arith.constant 0 : i32
      %dma_start3A_206 = tpu.memref_slice %arg5[%run_scoped3A_28, %dma_start3A_205] : memref<20x512xi32, #tpu.memory_space<vmem>> -> memref<1x512xi32, #tpu.memory_space<vmem>>
      %dma_start3A_207 = tpu.memref_squeeze %dma_start3A_206 : memref<1x512xi32, #tpu.memory_space<vmem>> -> memref<512xi32, #tpu.memory_space<vmem>>
      %dma_start3A_208 = tpu.memref_slice %arg2[%add3A_27] : memref<327680xi32, #tpu.memory_space<hbm>> -> memref<512xi32, #tpu.memory_space<hbm>>
      %dma_start3A_209 = arith.constant 0 : i32
      %dma_start3A_210 = tpu.memref_slice %arg5[%run_scoped3A_28, %dma_start3A_209] : memref<20x512xi32, #tpu.memory_space<vmem>> -> memref<1x512xi32, #tpu.memory_space<vmem>>
      %dma_start3A_211 = tpu.memref_squeeze %dma_start3A_210 : memref<1x512xi32, #tpu.memory_space<vmem>> -> memref<512xi32, #tpu.memory_space<vmem>>
      %dma_start3A_212 = tpu.memref_slice %arg2[%add3A_27] : memref<327680xi32, #tpu.memory_space<hbm>> -> memref<512xi32, #tpu.memory_space<hbm>>
      tpu.enqueue_dma source(%dma_start3A_212 : memref<512xi32, #tpu.memory_space<hbm>>) target(%dma_start3A_211 : memref<512xi32, #tpu.memory_space<vmem>>) target_semaphore(%run_scoped3A_204 : memref<!tpu.dma_semaphore, #tpu.memory_space<semaphore_mem>>)
      %dma_wait3A_213 = arith.constant 0 : i32
      %dma_wait3A_214 = tpu.memref_slice %arg5[%run_scoped3A_28, %dma_wait3A_213] : memref<20x512xi32, #tpu.memory_space<vmem>> -> memref<1x512xi32, #tpu.memory_space<vmem>>
      %dma_wait3A_215 = tpu.memref_squeeze %dma_wait3A_214 : memref<1x512xi32, #tpu.memory_space<vmem>> -> memref<512xi32, #tpu.memory_space<vmem>>
      %dma_wait3A_216 = tpu.memref_slice %arg2[%add3A_27] : memref<327680xi32, #tpu.memory_space<hbm>> -> memref<512xi32, #tpu.memory_space<hbm>>
      %dma_wait3A_217 = arith.constant 0 : i32
      %dma_wait3A_218 = tpu.memref_slice %arg5[%run_scoped3A_28, %dma_wait3A_217] : memref<20x512xi32, #tpu.memory_space<vmem>> -> memref<1x512xi32, #tpu.memory_space<vmem>>
      %dma_wait3A_219 = tpu.memref_squeeze %dma_wait3A_218 : memref<1x512xi32, #tpu.memory_space<vmem>> -> memref<512xi32, #tpu.memory_space<vmem>>
      %dma_wait3A_220 = tpu.memref_slice %arg2[%add3A_27] : memref<327680xi32, #tpu.memory_space<hbm>> -> memref<512xi32, #tpu.memory_space<hbm>>
      tpu.wait_dma2 semaphore(%run_scoped3A_204 : memref<!tpu.dma_semaphore, #tpu.memory_space<semaphore_mem>>) src(%dma_wait3A_220 : memref<512xi32, #tpu.memory_space<hbm>>) dst(%dma_wait3A_219 : memref<512xi32, #tpu.memory_space<vmem>>)
      tpu.yield
    }) : () -> ()
    %add3A_29 = arith.constant 147456 : i32
    %add3A_30 = arith.addi %add3A_29, %mul3A_2 : i32
    %run_scoped3A_31 = arith.constant 9 : i32
    "tpu.region"() ({
      %run_scoped3A_204 = tpu.sem_alloc : memref<!tpu.dma_semaphore, #tpu.memory_space<semaphore_mem>>
      %dma_start3A_205 = arith.constant 0 : i32
      %dma_start3A_206 = tpu.memref_slice %arg5[%run_scoped3A_31, %dma_start3A_205] : memref<20x512xi32, #tpu.memory_space<vmem>> -> memref<1x512xi32, #tpu.memory_space<vmem>>
      %dma_start3A_207 = tpu.memref_squeeze %dma_start3A_206 : memref<1x512xi32, #tpu.memory_space<vmem>> -> memref<512xi32, #tpu.memory_space<vmem>>
      %dma_start3A_208 = tpu.memref_slice %arg2[%add3A_30] : memref<327680xi32, #tpu.memory_space<hbm>> -> memref<512xi32, #tpu.memory_space<hbm>>
      %dma_start3A_209 = arith.constant 0 : i32
      %dma_start3A_210 = tpu.memref_slice %arg5[%run_scoped3A_31, %dma_start3A_209] : memref<20x512xi32, #tpu.memory_space<vmem>> -> memref<1x512xi32, #tpu.memory_space<vmem>>
      %dma_start3A_211 = tpu.memref_squeeze %dma_start3A_210 : memref<1x512xi32, #tpu.memory_space<vmem>> -> memref<512xi32, #tpu.memory_space<vmem>>
      %dma_start3A_212 = tpu.memref_slice %arg2[%add3A_30] : memref<327680xi32, #tpu.memory_space<hbm>> -> memref<512xi32, #tpu.memory_space<hbm>>
      tpu.enqueue_dma source(%dma_start3A_212 : memref<512xi32, #tpu.memory_space<hbm>>) target(%dma_start3A_211 : memref<512xi32, #tpu.memory_space<vmem>>) target_semaphore(%run_scoped3A_204 : memref<!tpu.dma_semaphore, #tpu.memory_space<semaphore_mem>>)
      %dma_wait3A_213 = arith.constant 0 : i32
      %dma_wait3A_214 = tpu.memref_slice %arg5[%run_scoped3A_31, %dma_wait3A_213] : memref<20x512xi32, #tpu.memory_space<vmem>> -> memref<1x512xi32, #tpu.memory_space<vmem>>
      %dma_wait3A_215 = tpu.memref_squeeze %dma_wait3A_214 : memref<1x512xi32, #tpu.memory_space<vmem>> -> memref<512xi32, #tpu.memory_space<vmem>>
      %dma_wait3A_216 = tpu.memref_slice %arg2[%add3A_30] : memref<327680xi32, #tpu.memory_space<hbm>> -> memref<512xi32, #tpu.memory_space<hbm>>
      %dma_wait3A_217 = arith.constant 0 : i32
      %dma_wait3A_218 = tpu.memref_slice %arg5[%run_scoped3A_31, %dma_wait3A_217] : memref<20x512xi32, #tpu.memory_space<vmem>> -> memref<1x512xi32, #tpu.memory_space<vmem>>
      %dma_wait3A_219 = tpu.memref_squeeze %dma_wait3A_218 : memref<1x512xi32, #tpu.memory_space<vmem>> -> memref<512xi32, #tpu.memory_space<vmem>>
      %dma_wait3A_220 = tpu.memref_slice %arg2[%add3A_30] : memref<327680xi32, #tpu.memory_space<hbm>> -> memref<512xi32, #tpu.memory_space<hbm>>
      tpu.wait_dma2 semaphore(%run_scoped3A_204 : memref<!tpu.dma_semaphore, #tpu.memory_space<semaphore_mem>>) src(%dma_wait3A_220 : memref<512xi32, #tpu.memory_space<hbm>>) dst(%dma_wait3A_219 : memref<512xi32, #tpu.memory_space<vmem>>)
      tpu.yield
    }) : () -> ()
    %add3A_32 = arith.constant 163840 : i32
    %add3A_33 = arith.addi %add3A_32, %mul3A_2 : i32
    %run_scoped3A_34 = arith.constant 10 : i32
    "tpu.region"() ({
      %run_scoped3A_204 = tpu.sem_alloc : memref<!tpu.dma_semaphore, #tpu.memory_space<semaphore_mem>>
      %dma_start3A_205 = arith.constant 0 : i32
      %dma_start3A_206 = tpu.memref_slice %arg5[%run_scoped3A_34, %dma_start3A_205] : memref<20x512xi32, #tpu.memory_space<vmem>> -> memref<1x512xi32, #tpu.memory_space<vmem>>
      %dma_start3A_207 = tpu.memref_squeeze %dma_start3A_206 : memref<1x512xi32, #tpu.memory_space<vmem>> -> memref<512xi32, #tpu.memory_space<vmem>>
      %dma_start3A_208 = tpu.memref_slice %arg2[%add3A_33] : memref<327680xi32, #tpu.memory_space<hbm>> -> memref<512xi32, #tpu.memory_space<hbm>>
      %dma_start3A_209 = arith.constant 0 : i32
      %dma_start3A_210 = tpu.memref_slice %arg5[%run_scoped3A_34, %dma_start3A_209] : memref<20x512xi32, #tpu.memory_space<vmem>> -> memref<1x512xi32, #tpu.memory_space<vmem>>
      %dma_start3A_211 = tpu.memref_squeeze %dma_start3A_210 : memref<1x512xi32, #tpu.memory_space<vmem>> -> memref<512xi32, #tpu.memory_space<vmem>>
      %dma_start3A_212 = tpu.memref_slice %arg2[%add3A_33] : memref<327680xi32, #tpu.memory_space<hbm>> -> memref<512xi32, #tpu.memory_space<hbm>>
      tpu.enqueue_dma source(%dma_start3A_212 : memref<512xi32, #tpu.memory_space<hbm>>) target(%dma_start3A_211 : memref<512xi32, #tpu.memory_space<vmem>>) target_semaphore(%run_scoped3A_204 : memref<!tpu.dma_semaphore, #tpu.memory_space<semaphore_mem>>)
      %dma_wait3A_213 = arith.constant 0 : i32
      %dma_wait3A_214 = tpu.memref_slice %arg5[%run_scoped3A_34, %dma_wait3A_213] : memref<20x512xi32, #tpu.memory_space<vmem>> -> memref<1x512xi32, #tpu.memory_space<vmem>>
      %dma_wait3A_215 = tpu.memref_squeeze %dma_wait3A_214 : memref<1x512xi32, #tpu.memory_space<vmem>> -> memref<512xi32, #tpu.memory_space<vmem>>
      %dma_wait3A_216 = tpu.memref_slice %arg2[%add3A_33] : memref<327680xi32, #tpu.memory_space<hbm>> -> memref<512xi32, #tpu.memory_space<hbm>>
      %dma_wait3A_217 = arith.constant 0 : i32
      %dma_wait3A_218 = tpu.memref_slice %arg5[%run_scoped3A_34, %dma_wait3A_217] : memref<20x512xi32, #tpu.memory_space<vmem>> -> memref<1x512xi32, #tpu.memory_space<vmem>>
      %dma_wait3A_219 = tpu.memref_squeeze %dma_wait3A_218 : memref<1x512xi32, #tpu.memory_space<vmem>> -> memref<512xi32, #tpu.memory_space<vmem>>
      %dma_wait3A_220 = tpu.memref_slice %arg2[%add3A_33] : memref<327680xi32, #tpu.memory_space<hbm>> -> memref<512xi32, #tpu.memory_space<hbm>>
      tpu.wait_dma2 semaphore(%run_scoped3A_204 : memref<!tpu.dma_semaphore, #tpu.memory_space<semaphore_mem>>) src(%dma_wait3A_220 : memref<512xi32, #tpu.memory_space<hbm>>) dst(%dma_wait3A_219 : memref<512xi32, #tpu.memory_space<vmem>>)
      tpu.yield
    }) : () -> ()
    %add3A_35 = arith.constant 180224 : i32
    %add3A_36 = arith.addi %add3A_35, %mul3A_2 : i32
    %run_scoped3A_37 = arith.constant 11 : i32
    "tpu.region"() ({
      %run_scoped3A_204 = tpu.sem_alloc : memref<!tpu.dma_semaphore, #tpu.memory_space<semaphore_mem>>
      %dma_start3A_205 = arith.constant 0 : i32
      %dma_start3A_206 = tpu.memref_slice %arg5[%run_scoped3A_37, %dma_start3A_205] : memref<20x512xi32, #tpu.memory_space<vmem>> -> memref<1x512xi32, #tpu.memory_space<vmem>>
      %dma_start3A_207 = tpu.memref_squeeze %dma_start3A_206 : memref<1x512xi32, #tpu.memory_space<vmem>> -> memref<512xi32, #tpu.memory_space<vmem>>
      %dma_start3A_208 = tpu.memref_slice %arg2[%add3A_36] : memref<327680xi32, #tpu.memory_space<hbm>> -> memref<512xi32, #tpu.memory_space<hbm>>
      %dma_start3A_209 = arith.constant 0 : i32
      %dma_start3A_210 = tpu.memref_slice %arg5[%run_scoped3A_37, %dma_start3A_209] : memref<20x512xi32, #tpu.memory_space<vmem>> -> memref<1x512xi32, #tpu.memory_space<vmem>>
      %dma_start3A_211 = tpu.memref_squeeze %dma_start3A_210 : memref<1x512xi32, #tpu.memory_space<vmem>> -> memref<512xi32, #tpu.memory_space<vmem>>
      %dma_start3A_212 = tpu.memref_slice %arg2[%add3A_36] : memref<327680xi32, #tpu.memory_space<hbm>> -> memref<512xi32, #tpu.memory_space<hbm>>
      tpu.enqueue_dma source(%dma_start3A_212 : memref<512xi32, #tpu.memory_space<hbm>>) target(%dma_start3A_211 : memref<512xi32, #tpu.memory_space<vmem>>) target_semaphore(%run_scoped3A_204 : memref<!tpu.dma_semaphore, #tpu.memory_space<semaphore_mem>>)
      %dma_wait3A_213 = arith.constant 0 : i32
      %dma_wait3A_214 = tpu.memref_slice %arg5[%run_scoped3A_37, %dma_wait3A_213] : memref<20x512xi32, #tpu.memory_space<vmem>> -> memref<1x512xi32, #tpu.memory_space<vmem>>
      %dma_wait3A_215 = tpu.memref_squeeze %dma_wait3A_214 : memref<1x512xi32, #tpu.memory_space<vmem>> -> memref<512xi32, #tpu.memory_space<vmem>>
      %dma_wait3A_216 = tpu.memref_slice %arg2[%add3A_36] : memref<327680xi32, #tpu.memory_space<hbm>> -> memref<512xi32, #tpu.memory_space<hbm>>
      %dma_wait3A_217 = arith.constant 0 : i32
      %dma_wait3A_218 = tpu.memref_slice %arg5[%run_scoped3A_37, %dma_wait3A_217] : memref<20x512xi32, #tpu.memory_space<vmem>> -> memref<1x512xi32, #tpu.memory_space<vmem>>
      %dma_wait3A_219 = tpu.memref_squeeze %dma_wait3A_218 : memref<1x512xi32, #tpu.memory_space<vmem>> -> memref<512xi32, #tpu.memory_space<vmem>>
      %dma_wait3A_220 = tpu.memref_slice %arg2[%add3A_36] : memref<327680xi32, #tpu.memory_space<hbm>> -> memref<512xi32, #tpu.memory_space<hbm>>
      tpu.wait_dma2 semaphore(%run_scoped3A_204 : memref<!tpu.dma_semaphore, #tpu.memory_space<semaphore_mem>>) src(%dma_wait3A_220 : memref<512xi32, #tpu.memory_space<hbm>>) dst(%dma_wait3A_219 : memref<512xi32, #tpu.memory_space<vmem>>)
      tpu.yield
    }) : () -> ()
    %add3A_38 = arith.constant 196608 : i32
    %add3A_39 = arith.addi %add3A_38, %mul3A_2 : i32
    %run_scoped3A_40 = arith.constant 12 : i32
    "tpu.region"() ({
      %run_scoped3A_204 = tpu.sem_alloc : memref<!tpu.dma_semaphore, #tpu.memory_space<semaphore_mem>>
      %dma_start3A_205 = arith.constant 0 : i32
      %dma_start3A_206 = tpu.memref_slice %arg5[%run_scoped3A_40, %dma_start3A_205] : memref<20x512xi32, #tpu.memory_space<vmem>> -> memref<1x512xi32, #tpu.memory_space<vmem>>
      %dma_start3A_207 = tpu.memref_squeeze %dma_start3A_206 : memref<1x512xi32, #tpu.memory_space<vmem>> -> memref<512xi32, #tpu.memory_space<vmem>>
      %dma_start3A_208 = tpu.memref_slice %arg2[%add3A_39] : memref<327680xi32, #tpu.memory_space<hbm>> -> memref<512xi32, #tpu.memory_space<hbm>>
      %dma_start3A_209 = arith.constant 0 : i32
      %dma_start3A_210 = tpu.memref_slice %arg5[%run_scoped3A_40, %dma_start3A_209] : memref<20x512xi32, #tpu.memory_space<vmem>> -> memref<1x512xi32, #tpu.memory_space<vmem>>
      %dma_start3A_211 = tpu.memref_squeeze %dma_start3A_210 : memref<1x512xi32, #tpu.memory_space<vmem>> -> memref<512xi32, #tpu.memory_space<vmem>>
      %dma_start3A_212 = tpu.memref_slice %arg2[%add3A_39] : memref<327680xi32, #tpu.memory_space<hbm>> -> memref<512xi32, #tpu.memory_space<hbm>>
      tpu.enqueue_dma source(%dma_start3A_212 : memref<512xi32, #tpu.memory_space<hbm>>) target(%dma_start3A_211 : memref<512xi32, #tpu.memory_space<vmem>>) target_semaphore(%run_scoped3A_204 : memref<!tpu.dma_semaphore, #tpu.memory_space<semaphore_mem>>)
      %dma_wait3A_213 = arith.constant 0 : i32
      %dma_wait3A_214 = tpu.memref_slice %arg5[%run_scoped3A_40, %dma_wait3A_213] : memref<20x512xi32, #tpu.memory_space<vmem>> -> memref<1x512xi32, #tpu.memory_space<vmem>>
      %dma_wait3A_215 = tpu.memref_squeeze %dma_wait3A_214 : memref<1x512xi32, #tpu.memory_space<vmem>> -> memref<512xi32, #tpu.memory_space<vmem>>
      %dma_wait3A_216 = tpu.memref_slice %arg2[%add3A_39] : memref<327680xi32, #tpu.memory_space<hbm>> -> memref<512xi32, #tpu.memory_space<hbm>>
      %dma_wait3A_217 = arith.constant 0 : i32
      %dma_wait3A_218 = tpu.memref_slice %arg5[%run_scoped3A_40, %dma_wait3A_217] : memref<20x512xi32, #tpu.memory_space<vmem>> -> memref<1x512xi32, #tpu.memory_space<vmem>>
      %dma_wait3A_219 = tpu.memref_squeeze %dma_wait3A_218 : memref<1x512xi32, #tpu.memory_space<vmem>> -> memref<512xi32, #tpu.memory_space<vmem>>
      %dma_wait3A_220 = tpu.memref_slice %arg2[%add3A_39] : memref<327680xi32, #tpu.memory_space<hbm>> -> memref<512xi32, #tpu.memory_space<hbm>>
      tpu.wait_dma2 semaphore(%run_scoped3A_204 : memref<!tpu.dma_semaphore, #tpu.memory_space<semaphore_mem>>) src(%dma_wait3A_220 : memref<512xi32, #tpu.memory_space<hbm>>) dst(%dma_wait3A_219 : memref<512xi32, #tpu.memory_space<vmem>>)
      tpu.yield
    }) : () -> ()
    %add3A_41 = arith.constant 212992 : i32
    %add3A_42 = arith.addi %add3A_41, %mul3A_2 : i32
    %run_scoped3A_43 = arith.constant 13 : i32
    "tpu.region"() ({
      %run_scoped3A_204 = tpu.sem_alloc : memref<!tpu.dma_semaphore, #tpu.memory_space<semaphore_mem>>
      %dma_start3A_205 = arith.constant 0 : i32
      %dma_start3A_206 = tpu.memref_slice %arg5[%run_scoped3A_43, %dma_start3A_205] : memref<20x512xi32, #tpu.memory_space<vmem>> -> memref<1x512xi32, #tpu.memory_space<vmem>>
      %dma_start3A_207 = tpu.memref_squeeze %dma_start3A_206 : memref<1x512xi32, #tpu.memory_space<vmem>> -> memref<512xi32, #tpu.memory_space<vmem>>
      %dma_start3A_208 = tpu.memref_slice %arg2[%add3A_42] : memref<327680xi32, #tpu.memory_space<hbm>> -> memref<512xi32, #tpu.memory_space<hbm>>
      %dma_start3A_209 = arith.constant 0 : i32
      %dma_start3A_210 = tpu.memref_slice %arg5[%run_scoped3A_43, %dma_start3A_209] : memref<20x512xi32, #tpu.memory_space<vmem>> -> memref<1x512xi32, #tpu.memory_space<vmem>>
      %dma_start3A_211 = tpu.memref_squeeze %dma_start3A_210 : memref<1x512xi32, #tpu.memory_space<vmem>> -> memref<512xi32, #tpu.memory_space<vmem>>
      %dma_start3A_212 = tpu.memref_slice %arg2[%add3A_42] : memref<327680xi32, #tpu.memory_space<hbm>> -> memref<512xi32, #tpu.memory_space<hbm>>
      tpu.enqueue_dma source(%dma_start3A_212 : memref<512xi32, #tpu.memory_space<hbm>>) target(%dma_start3A_211 : memref<512xi32, #tpu.memory_space<vmem>>) target_semaphore(%run_scoped3A_204 : memref<!tpu.dma_semaphore, #tpu.memory_space<semaphore_mem>>)
      %dma_wait3A_213 = arith.constant 0 : i32
      %dma_wait3A_214 = tpu.memref_slice %arg5[%run_scoped3A_43, %dma_wait3A_213] : memref<20x512xi32, #tpu.memory_space<vmem>> -> memref<1x512xi32, #tpu.memory_space<vmem>>
      %dma_wait3A_215 = tpu.memref_squeeze %dma_wait3A_214 : memref<1x512xi32, #tpu.memory_space<vmem>> -> memref<512xi32, #tpu.memory_space<vmem>>
      %dma_wait3A_216 = tpu.memref_slice %arg2[%add3A_42] : memref<327680xi32, #tpu.memory_space<hbm>> -> memref<512xi32, #tpu.memory_space<hbm>>
      %dma_wait3A_217 = arith.constant 0 : i32
      %dma_wait3A_218 = tpu.memref_slice %arg5[%run_scoped3A_43, %dma_wait3A_217] : memref<20x512xi32, #tpu.memory_space<vmem>> -> memref<1x512xi32, #tpu.memory_space<vmem>>
      %dma_wait3A_219 = tpu.memref_squeeze %dma_wait3A_218 : memref<1x512xi32, #tpu.memory_space<vmem>> -> memref<512xi32, #tpu.memory_space<vmem>>
      %dma_wait3A_220 = tpu.memref_slice %arg2[%add3A_42] : memref<327680xi32, #tpu.memory_space<hbm>> -> memref<512xi32, #tpu.memory_space<hbm>>
      tpu.wait_dma2 semaphore(%run_scoped3A_204 : memref<!tpu.dma_semaphore, #tpu.memory_space<semaphore_mem>>) src(%dma_wait3A_220 : memref<512xi32, #tpu.memory_space<hbm>>) dst(%dma_wait3A_219 : memref<512xi32, #tpu.memory_space<vmem>>)
      tpu.yield
    }) : () -> ()
    %add3A_44 = arith.constant 229376 : i32
    %add3A_45 = arith.addi %add3A_44, %mul3A_2 : i32
    %run_scoped3A_46 = arith.constant 14 : i32
    "tpu.region"() ({
      %run_scoped3A_204 = tpu.sem_alloc : memref<!tpu.dma_semaphore, #tpu.memory_space<semaphore_mem>>
      %dma_start3A_205 = arith.constant 0 : i32
      %dma_start3A_206 = tpu.memref_slice %arg5[%run_scoped3A_46, %dma_start3A_205] : memref<20x512xi32, #tpu.memory_space<vmem>> -> memref<1x512xi32, #tpu.memory_space<vmem>>
      %dma_start3A_207 = tpu.memref_squeeze %dma_start3A_206 : memref<1x512xi32, #tpu.memory_space<vmem>> -> memref<512xi32, #tpu.memory_space<vmem>>
      %dma_start3A_208 = tpu.memref_slice %arg2[%add3A_45] : memref<327680xi32, #tpu.memory_space<hbm>> -> memref<512xi32, #tpu.memory_space<hbm>>
      %dma_start3A_209 = arith.constant 0 : i32
      %dma_start3A_210 = tpu.memref_slice %arg5[%run_scoped3A_46, %dma_start3A_209] : memref<20x512xi32, #tpu.memory_space<vmem>> -> memref<1x512xi32, #tpu.memory_space<vmem>>
      %dma_start3A_211 = tpu.memref_squeeze %dma_start3A_210 : memref<1x512xi32, #tpu.memory_space<vmem>> -> memref<512xi32, #tpu.memory_space<vmem>>
      %dma_start3A_212 = tpu.memref_slice %arg2[%add3A_45] : memref<327680xi32, #tpu.memory_space<hbm>> -> memref<512xi32, #tpu.memory_space<hbm>>
      tpu.enqueue_dma source(%dma_start3A_212 : memref<512xi32, #tpu.memory_space<hbm>>) target(%dma_start3A_211 : memref<512xi32, #tpu.memory_space<vmem>>) target_semaphore(%run_scoped3A_204 : memref<!tpu.dma_semaphore, #tpu.memory_space<semaphore_mem>>)
      %dma_wait3A_213 = arith.constant 0 : i32
      %dma_wait3A_214 = tpu.memref_slice %arg5[%run_scoped3A_46, %dma_wait3A_213] : memref<20x512xi32, #tpu.memory_space<vmem>> -> memref<1x512xi32, #tpu.memory_space<vmem>>
      %dma_wait3A_215 = tpu.memref_squeeze %dma_wait3A_214 : memref<1x512xi32, #tpu.memory_space<vmem>> -> memref<512xi32, #tpu.memory_space<vmem>>
      %dma_wait3A_216 = tpu.memref_slice %arg2[%add3A_45] : memref<327680xi32, #tpu.memory_space<hbm>> -> memref<512xi32, #tpu.memory_space<hbm>>
      %dma_wait3A_217 = arith.constant 0 : i32
      %dma_wait3A_218 = tpu.memref_slice %arg5[%run_scoped3A_46, %dma_wait3A_217] : memref<20x512xi32, #tpu.memory_space<vmem>> -> memref<1x512xi32, #tpu.memory_space<vmem>>
      %dma_wait3A_219 = tpu.memref_squeeze %dma_wait3A_218 : memref<1x512xi32, #tpu.memory_space<vmem>> -> memref<512xi32, #tpu.memory_space<vmem>>
      %dma_wait3A_220 = tpu.memref_slice %arg2[%add3A_45] : memref<327680xi32, #tpu.memory_space<hbm>> -> memref<512xi32, #tpu.memory_space<hbm>>
      tpu.wait_dma2 semaphore(%run_scoped3A_204 : memref<!tpu.dma_semaphore, #tpu.memory_space<semaphore_mem>>) src(%dma_wait3A_220 : memref<512xi32, #tpu.memory_space<hbm>>) dst(%dma_wait3A_219 : memref<512xi32, #tpu.memory_space<vmem>>)
      tpu.yield
    }) : () -> ()
    %add3A_47 = arith.constant 245760 : i32
    %add3A_48 = arith.addi %add3A_47, %mul3A_2 : i32
    %run_scoped3A_49 = arith.constant 15 : i32
    "tpu.region"() ({
      %run_scoped3A_204 = tpu.sem_alloc : memref<!tpu.dma_semaphore, #tpu.memory_space<semaphore_mem>>
      %dma_start3A_205 = arith.constant 0 : i32
      %dma_start3A_206 = tpu.memref_slice %arg5[%run_scoped3A_49, %dma_start3A_205] : memref<20x512xi32, #tpu.memory_space<vmem>> -> memref<1x512xi32, #tpu.memory_space<vmem>>
      %dma_start3A_207 = tpu.memref_squeeze %dma_start3A_206 : memref<1x512xi32, #tpu.memory_space<vmem>> -> memref<512xi32, #tpu.memory_space<vmem>>
      %dma_start3A_208 = tpu.memref_slice %arg2[%add3A_48] : memref<327680xi32, #tpu.memory_space<hbm>> -> memref<512xi32, #tpu.memory_space<hbm>>
      %dma_start3A_209 = arith.constant 0 : i32
      %dma_start3A_210 = tpu.memref_slice %arg5[%run_scoped3A_49, %dma_start3A_209] : memref<20x512xi32, #tpu.memory_space<vmem>> -> memref<1x512xi32, #tpu.memory_space<vmem>>
      %dma_start3A_211 = tpu.memref_squeeze %dma_start3A_210 : memref<1x512xi32, #tpu.memory_space<vmem>> -> memref<512xi32, #tpu.memory_space<vmem>>
      %dma_start3A_212 = tpu.memref_slice %arg2[%add3A_48] : memref<327680xi32, #tpu.memory_space<hbm>> -> memref<512xi32, #tpu.memory_space<hbm>>
      tpu.enqueue_dma source(%dma_start3A_212 : memref<512xi32, #tpu.memory_space<hbm>>) target(%dma_start3A_211 : memref<512xi32, #tpu.memory_space<vmem>>) target_semaphore(%run_scoped3A_204 : memref<!tpu.dma_semaphore, #tpu.memory_space<semaphore_mem>>)
      %dma_wait3A_213 = arith.constant 0 : i32
      %dma_wait3A_214 = tpu.memref_slice %arg5[%run_scoped3A_49, %dma_wait3A_213] : memref<20x512xi32, #tpu.memory_space<vmem>> -> memref<1x512xi32, #tpu.memory_space<vmem>>
      %dma_wait3A_215 = tpu.memref_squeeze %dma_wait3A_214 : memref<1x512xi32, #tpu.memory_space<vmem>> -> memref<512xi32, #tpu.memory_space<vmem>>
      %dma_wait3A_216 = tpu.memref_slice %arg2[%add3A_48] : memref<327680xi32, #tpu.memory_space<hbm>> -> memref<512xi32, #tpu.memory_space<hbm>>
      %dma_wait3A_217 = arith.constant 0 : i32
      %dma_wait3A_218 = tpu.memref_slice %arg5[%run_scoped3A_49, %dma_wait3A_217] : memref<20x512xi32, #tpu.memory_space<vmem>> -> memref<1x512xi32, #tpu.memory_space<vmem>>
      %dma_wait3A_219 = tpu.memref_squeeze %dma_wait3A_218 : memref<1x512xi32, #tpu.memory_space<vmem>> -> memref<512xi32, #tpu.memory_space<vmem>>
      %dma_wait3A_220 = tpu.memref_slice %arg2[%add3A_48] : memref<327680xi32, #tpu.memory_space<hbm>> -> memref<512xi32, #tpu.memory_space<hbm>>
      tpu.wait_dma2 semaphore(%run_scoped3A_204 : memref<!tpu.dma_semaphore, #tpu.memory_space<semaphore_mem>>) src(%dma_wait3A_220 : memref<512xi32, #tpu.memory_space<hbm>>) dst(%dma_wait3A_219 : memref<512xi32, #tpu.memory_space<vmem>>)
      tpu.yield
    }) : () -> ()
    %add3A_50 = arith.constant 262144 : i32
    %add3A_51 = arith.addi %add3A_50, %mul3A_2 : i32
    %run_scoped3A_52 = arith.constant 16 : i32
    "tpu.region"() ({
      %run_scoped3A_204 = tpu.sem_alloc : memref<!tpu.dma_semaphore, #tpu.memory_space<semaphore_mem>>
      %dma_start3A_205 = arith.constant 0 : i32
      %dma_start3A_206 = tpu.memref_slice %arg5[%run_scoped3A_52, %dma_start3A_205] : memref<20x512xi32, #tpu.memory_space<vmem>> -> memref<1x512xi32, #tpu.memory_space<vmem>>
      %dma_start3A_207 = tpu.memref_squeeze %dma_start3A_206 : memref<1x512xi32, #tpu.memory_space<vmem>> -> memref<512xi32, #tpu.memory_space<vmem>>
      %dma_start3A_208 = tpu.memref_slice %arg2[%add3A_51] : memref<327680xi32, #tpu.memory_space<hbm>> -> memref<512xi32, #tpu.memory_space<hbm>>
      %dma_start3A_209 = arith.constant 0 : i32
      %dma_start3A_210 = tpu.memref_slice %arg5[%run_scoped3A_52, %dma_start3A_209] : memref<20x512xi32, #tpu.memory_space<vmem>> -> memref<1x512xi32, #tpu.memory_space<vmem>>
      %dma_start3A_211 = tpu.memref_squeeze %dma_start3A_210 : memref<1x512xi32, #tpu.memory_space<vmem>> -> memref<512xi32, #tpu.memory_space<vmem>>
      %dma_start3A_212 = tpu.memref_slice %arg2[%add3A_51] : memref<327680xi32, #tpu.memory_space<hbm>> -> memref<512xi32, #tpu.memory_space<hbm>>
      tpu.enqueue_dma source(%dma_start3A_212 : memref<512xi32, #tpu.memory_space<hbm>>) target(%dma_start3A_211 : memref<512xi32, #tpu.memory_space<vmem>>) target_semaphore(%run_scoped3A_204 : memref<!tpu.dma_semaphore, #tpu.memory_space<semaphore_mem>>)
      %dma_wait3A_213 = arith.constant 0 : i32
      %dma_wait3A_214 = tpu.memref_slice %arg5[%run_scoped3A_52, %dma_wait3A_213] : memref<20x512xi32, #tpu.memory_space<vmem>> -> memref<1x512xi32, #tpu.memory_space<vmem>>
      %dma_wait3A_215 = tpu.memref_squeeze %dma_wait3A_214 : memref<1x512xi32, #tpu.memory_space<vmem>> -> memref<512xi32, #tpu.memory_space<vmem>>
      %dma_wait3A_216 = tpu.memref_slice %arg2[%add3A_51] : memref<327680xi32, #tpu.memory_space<hbm>> -> memref<512xi32, #tpu.memory_space<hbm>>
      %dma_wait3A_217 = arith.constant 0 : i32
      %dma_wait3A_218 = tpu.memref_slice %arg5[%run_scoped3A_52, %dma_wait3A_217] : memref<20x512xi32, #tpu.memory_space<vmem>> -> memref<1x512xi32, #tpu.memory_space<vmem>>
      %dma_wait3A_219 = tpu.memref_squeeze %dma_wait3A_218 : memref<1x512xi32, #tpu.memory_space<vmem>> -> memref<512xi32, #tpu.memory_space<vmem>>
      %dma_wait3A_220 = tpu.memref_slice %arg2[%add3A_51] : memref<327680xi32, #tpu.memory_space<hbm>> -> memref<512xi32, #tpu.memory_space<hbm>>
      tpu.wait_dma2 semaphore(%run_scoped3A_204 : memref<!tpu.dma_semaphore, #tpu.memory_space<semaphore_mem>>) src(%dma_wait3A_220 : memref<512xi32, #tpu.memory_space<hbm>>) dst(%dma_wait3A_219 : memref<512xi32, #tpu.memory_space<vmem>>)
      tpu.yield
    }) : () -> ()
    %add3A_53 = arith.constant 278528 : i32
    %add3A_54 = arith.addi %add3A_53, %mul3A_2 : i32
    %run_scoped3A_55 = arith.constant 17 : i32
    "tpu.region"() ({
      %run_scoped3A_204 = tpu.sem_alloc : memref<!tpu.dma_semaphore, #tpu.memory_space<semaphore_mem>>
      %dma_start3A_205 = arith.constant 0 : i32
      %dma_start3A_206 = tpu.memref_slice %arg5[%run_scoped3A_55, %dma_start3A_205] : memref<20x512xi32, #tpu.memory_space<vmem>> -> memref<1x512xi32, #tpu.memory_space<vmem>>
      %dma_start3A_207 = tpu.memref_squeeze %dma_start3A_206 : memref<1x512xi32, #tpu.memory_space<vmem>> -> memref<512xi32, #tpu.memory_space<vmem>>
      %dma_start3A_208 = tpu.memref_slice %arg2[%add3A_54] : memref<327680xi32, #tpu.memory_space<hbm>> -> memref<512xi32, #tpu.memory_space<hbm>>
      %dma_start3A_209 = arith.constant 0 : i32
      %dma_start3A_210 = tpu.memref_slice %arg5[%run_scoped3A_55, %dma_start3A_209] : memref<20x512xi32, #tpu.memory_space<vmem>> -> memref<1x512xi32, #tpu.memory_space<vmem>>
      %dma_start3A_211 = tpu.memref_squeeze %dma_start3A_210 : memref<1x512xi32, #tpu.memory_space<vmem>> -> memref<512xi32, #tpu.memory_space<vmem>>
      %dma_start3A_212 = tpu.memref_slice %arg2[%add3A_54] : memref<327680xi32, #tpu.memory_space<hbm>> -> memref<512xi32, #tpu.memory_space<hbm>>
      tpu.enqueue_dma source(%dma_start3A_212 : memref<512xi32, #tpu.memory_space<hbm>>) target(%dma_start3A_211 : memref<512xi32, #tpu.memory_space<vmem>>) target_semaphore(%run_scoped3A_204 : memref<!tpu.dma_semaphore, #tpu.memory_space<semaphore_mem>>)
      %dma_wait3A_213 = arith.constant 0 : i32
      %dma_wait3A_214 = tpu.memref_slice %arg5[%run_scoped3A_55, %dma_wait3A_213] : memref<20x512xi32, #tpu.memory_space<vmem>> -> memref<1x512xi32, #tpu.memory_space<vmem>>
      %dma_wait3A_215 = tpu.memref_squeeze %dma_wait3A_214 : memref<1x512xi32, #tpu.memory_space<vmem>> -> memref<512xi32, #tpu.memory_space<vmem>>
      %dma_wait3A_216 = tpu.memref_slice %arg2[%add3A_54] : memref<327680xi32, #tpu.memory_space<hbm>> -> memref<512xi32, #tpu.memory_space<hbm>>
      %dma_wait3A_217 = arith.constant 0 : i32
      %dma_wait3A_218 = tpu.memref_slice %arg5[%run_scoped3A_55, %dma_wait3A_217] : memref<20x512xi32, #tpu.memory_space<vmem>> -> memref<1x512xi32, #tpu.memory_space<vmem>>
      %dma_wait3A_219 = tpu.memref_squeeze %dma_wait3A_218 : memref<1x512xi32, #tpu.memory_space<vmem>> -> memref<512xi32, #tpu.memory_space<vmem>>
      %dma_wait3A_220 = tpu.memref_slice %arg2[%add3A_54] : memref<327680xi32, #tpu.memory_space<hbm>> -> memref<512xi32, #tpu.memory_space<hbm>>
      tpu.wait_dma2 semaphore(%run_scoped3A_204 : memref<!tpu.dma_semaphore, #tpu.memory_space<semaphore_mem>>) src(%dma_wait3A_220 : memref<512xi32, #tpu.memory_space<hbm>>) dst(%dma_wait3A_219 : memref<512xi32, #tpu.memory_space<vmem>>)
      tpu.yield
    }) : () -> ()
    %add3A_56 = arith.constant 294912 : i32
    %add3A_57 = arith.addi %add3A_56, %mul3A_2 : i32
    %run_scoped3A_58 = arith.constant 18 : i32
    "tpu.region"() ({
      %run_scoped3A_204 = tpu.sem_alloc : memref<!tpu.dma_semaphore, #tpu.memory_space<semaphore_mem>>
      %dma_start3A_205 = arith.constant 0 : i32
      %dma_start3A_206 = tpu.memref_slice %arg5[%run_scoped3A_58, %dma_start3A_205] : memref<20x512xi32, #tpu.memory_space<vmem>> -> memref<1x512xi32, #tpu.memory_space<vmem>>
      %dma_start3A_207 = tpu.memref_squeeze %dma_start3A_206 : memref<1x512xi32, #tpu.memory_space<vmem>> -> memref<512xi32, #tpu.memory_space<vmem>>
      %dma_start3A_208 = tpu.memref_slice %arg2[%add3A_57] : memref<327680xi32, #tpu.memory_space<hbm>> -> memref<512xi32, #tpu.memory_space<hbm>>
      %dma_start3A_209 = arith.constant 0 : i32
      %dma_start3A_210 = tpu.memref_slice %arg5[%run_scoped3A_58, %dma_start3A_209] : memref<20x512xi32, #tpu.memory_space<vmem>> -> memref<1x512xi32, #tpu.memory_space<vmem>>
      %dma_start3A_211 = tpu.memref_squeeze %dma_start3A_210 : memref<1x512xi32, #tpu.memory_space<vmem>> -> memref<512xi32, #tpu.memory_space<vmem>>
      %dma_start3A_212 = tpu.memref_slice %arg2[%add3A_57] : memref<327680xi32, #tpu.memory_space<hbm>> -> memref<512xi32, #tpu.memory_space<hbm>>
      tpu.enqueue_dma source(%dma_start3A_212 : memref<512xi32, #tpu.memory_space<hbm>>) target(%dma_start3A_211 : memref<512xi32, #tpu.memory_space<vmem>>) target_semaphore(%run_scoped3A_204 : memref<!tpu.dma_semaphore, #tpu.memory_space<semaphore_mem>>)
      %dma_wait3A_213 = arith.constant 0 : i32
      %dma_wait3A_214 = tpu.memref_slice %arg5[%run_scoped3A_58, %dma_wait3A_213] : memref<20x512xi32, #tpu.memory_space<vmem>> -> memref<1x512xi32, #tpu.memory_space<vmem>>
      %dma_wait3A_215 = tpu.memref_squeeze %dma_wait3A_214 : memref<1x512xi32, #tpu.memory_space<vmem>> -> memref<512xi32, #tpu.memory_space<vmem>>
      %dma_wait3A_216 = tpu.memref_slice %arg2[%add3A_57] : memref<327680xi32, #tpu.memory_space<hbm>> -> memref<512xi32, #tpu.memory_space<hbm>>
      %dma_wait3A_217 = arith.constant 0 : i32
      %dma_wait3A_218 = tpu.memref_slice %arg5[%run_scoped3A_58, %dma_wait3A_217] : memref<20x512xi32, #tpu.memory_space<vmem>> -> memref<1x512xi32, #tpu.memory_space<vmem>>
      %dma_wait3A_219 = tpu.memref_squeeze %dma_wait3A_218 : memref<1x512xi32, #tpu.memory_space<vmem>> -> memref<512xi32, #tpu.memory_space<vmem>>
      %dma_wait3A_220 = tpu.memref_slice %arg2[%add3A_57] : memref<327680xi32, #tpu.memory_space<hbm>> -> memref<512xi32, #tpu.memory_space<hbm>>
      tpu.wait_dma2 semaphore(%run_scoped3A_204 : memref<!tpu.dma_semaphore, #tpu.memory_space<semaphore_mem>>) src(%dma_wait3A_220 : memref<512xi32, #tpu.memory_space<hbm>>) dst(%dma_wait3A_219 : memref<512xi32, #tpu.memory_space<vmem>>)
      tpu.yield
    }) : () -> ()
    %add3A_59 = arith.constant 311296 : i32
    %add3A_60 = arith.addi %add3A_59, %mul3A_2 : i32
    %run_scoped3A_61 = arith.constant 19 : i32
    "tpu.region"() ({
      %run_scoped3A_204 = tpu.sem_alloc : memref<!tpu.dma_semaphore, #tpu.memory_space<semaphore_mem>>
      %dma_start3A_205 = arith.constant 0 : i32
      %dma_start3A_206 = tpu.memref_slice %arg5[%run_scoped3A_61, %dma_start3A_205] : memref<20x512xi32, #tpu.memory_space<vmem>> -> memref<1x512xi32, #tpu.memory_space<vmem>>
      %dma_start3A_207 = tpu.memref_squeeze %dma_start3A_206 : memref<1x512xi32, #tpu.memory_space<vmem>> -> memref<512xi32, #tpu.memory_space<vmem>>
      %dma_start3A_208 = tpu.memref_slice %arg2[%add3A_60] : memref<327680xi32, #tpu.memory_space<hbm>> -> memref<512xi32, #tpu.memory_space<hbm>>
      %dma_start3A_209 = arith.constant 0 : i32
      %dma_start3A_210 = tpu.memref_slice %arg5[%run_scoped3A_61, %dma_start3A_209] : memref<20x512xi32, #tpu.memory_space<vmem>> -> memref<1x512xi32, #tpu.memory_space<vmem>>
      %dma_start3A_211 = tpu.memref_squeeze %dma_start3A_210 : memref<1x512xi32, #tpu.memory_space<vmem>> -> memref<512xi32, #tpu.memory_space<vmem>>
      %dma_start3A_212 = tpu.memref_slice %arg2[%add3A_60] : memref<327680xi32, #tpu.memory_space<hbm>> -> memref<512xi32, #tpu.memory_space<hbm>>
      tpu.enqueue_dma source(%dma_start3A_212 : memref<512xi32, #tpu.memory_space<hbm>>) target(%dma_start3A_211 : memref<512xi32, #tpu.memory_space<vmem>>) target_semaphore(%run_scoped3A_204 : memref<!tpu.dma_semaphore, #tpu.memory_space<semaphore_mem>>)
      %dma_wait3A_213 = arith.constant 0 : i32
      %dma_wait3A_214 = tpu.memref_slice %arg5[%run_scoped3A_61, %dma_wait3A_213] : memref<20x512xi32, #tpu.memory_space<vmem>> -> memref<1x512xi32, #tpu.memory_space<vmem>>
      %dma_wait3A_215 = tpu.memref_squeeze %dma_wait3A_214 : memref<1x512xi32, #tpu.memory_space<vmem>> -> memref<512xi32, #tpu.memory_space<vmem>>
      %dma_wait3A_216 = tpu.memref_slice %arg2[%add3A_60] : memref<327680xi32, #tpu.memory_space<hbm>> -> memref<512xi32, #tpu.memory_space<hbm>>
      %dma_wait3A_217 = arith.constant 0 : i32
      %dma_wait3A_218 = tpu.memref_slice %arg5[%run_scoped3A_61, %dma_wait3A_217] : memref<20x512xi32, #tpu.memory_space<vmem>> -> memref<1x512xi32, #tpu.memory_space<vmem>>
      %dma_wait3A_219 = tpu.memref_squeeze %dma_wait3A_218 : memref<1x512xi32, #tpu.memory_space<vmem>> -> memref<512xi32, #tpu.memory_space<vmem>>
      %dma_wait3A_220 = tpu.memref_slice %arg2[%add3A_60] : memref<327680xi32, #tpu.memory_space<hbm>> -> memref<512xi32, #tpu.memory_space<hbm>>
      tpu.wait_dma2 semaphore(%run_scoped3A_204 : memref<!tpu.dma_semaphore, #tpu.memory_space<semaphore_mem>>) src(%dma_wait3A_220 : memref<512xi32, #tpu.memory_space<hbm>>) dst(%dma_wait3A_219 : memref<512xi32, #tpu.memory_space<vmem>>)
      tpu.yield
    }) : () -> ()
    %iota3A = tpu.iota {dimensions = array<i32: 0>} : vector<16xi32>
    %broadcast_in_dim3A = arith.constant 0 : i32
    %broadcast_in_dim3A_62 = vector.broadcast %broadcast_in_dim3A : i32 to vector<16xi32>
    %add3A_63 = arith.constant 0 : i32
    %add3A_64 = vector.broadcast %add3A_63 : i32 to vector<16xi32>
    %add3A_65 = arith.addi %add3A_64, %iota3A : vector<16xi32>
    %shift_right_logical3A = arith.constant 3 : i32
    %shift_right_logical3A_66 = vector.broadcast %shift_right_logical3A : i32 to vector<16xi32>
    %shift_right_logical3A_67 = arith.shrui %add3A_65, %shift_right_logical3A_66 : vector<16xi32>
    %add3A_68 = arith.constant 16 : i32
    %add3A_69 = vector.broadcast %add3A_68 : i32 to vector<16xi32>
    %add3A_70 = arith.addi %add3A_69, %iota3A : vector<16xi32>
    %shift_right_logical3A_71 = arith.constant 3 : i32
    %shift_right_logical3A_72 = vector.broadcast %shift_right_logical3A_71 : i32 to vector<16xi32>
    %shift_right_logical3A_73 = arith.shrui %add3A_70, %shift_right_logical3A_72 : vector<16xi32>
    %add3A_74 = arith.constant 32 : i32
    %add3A_75 = vector.broadcast %add3A_74 : i32 to vector<16xi32>
    %add3A_76 = arith.addi %add3A_75, %iota3A : vector<16xi32>
    %shift_right_logical3A_77 = arith.constant 3 : i32
    %shift_right_logical3A_78 = vector.broadcast %shift_right_logical3A_77 : i32 to vector<16xi32>
    %shift_right_logical3A_79 = arith.shrui %add3A_76, %shift_right_logical3A_78 : vector<16xi32>
    %add3A_80 = arith.constant 48 : i32
    %add3A_81 = vector.broadcast %add3A_80 : i32 to vector<16xi32>
    %add3A_82 = arith.addi %add3A_81, %iota3A : vector<16xi32>
    %shift_right_logical3A_83 = arith.constant 3 : i32
    %shift_right_logical3A_84 = vector.broadcast %shift_right_logical3A_83 : i32 to vector<16xi32>
    %shift_right_logical3A_85 = arith.shrui %add3A_82, %shift_right_logical3A_84 : vector<16xi32>
    %add3A_86 = arith.constant 0 : i32
    %add3A_87 = vector.broadcast %add3A_86 : i32 to vector<16xi32>
    %add3A_88 = arith.addi %add3A_87, %iota3A : vector<16xi32>
    %and3A = arith.constant 7 : i32
    %and3A_89 = vector.broadcast %and3A : i32 to vector<16xi32>
    %and3A_90 = arith.andi %add3A_88, %and3A_89 : vector<16xi32>
    %add3A_91 = arith.constant 16 : i32
    %add3A_92 = vector.broadcast %add3A_91 : i32 to vector<16xi32>
    %add3A_93 = arith.addi %add3A_92, %iota3A : vector<16xi32>
    %and3A_94 = arith.constant 7 : i32
    %and3A_95 = vector.broadcast %and3A_94 : i32 to vector<16xi32>
    %and3A_96 = arith.andi %add3A_93, %and3A_95 : vector<16xi32>
    %add3A_97 = arith.constant 32 : i32
    %add3A_98 = vector.broadcast %add3A_97 : i32 to vector<16xi32>
    %add3A_99 = arith.addi %add3A_98, %iota3A : vector<16xi32>
    %and3A_100 = arith.constant 7 : i32
    %and3A_101 = vector.broadcast %and3A_100 : i32 to vector<16xi32>
    %and3A_102 = arith.andi %add3A_99, %and3A_101 : vector<16xi32>
    %add3A_103 = arith.constant 48 : i32
    %add3A_104 = vector.broadcast %add3A_103 : i32 to vector<16xi32>
    %add3A_105 = arith.addi %add3A_104, %iota3A : vector<16xi32>
    %and3A_106 = arith.constant 7 : i32
    %and3A_107 = vector.broadcast %and3A_106 : i32 to vector<16xi32>
    %and3A_108 = arith.andi %add3A_105, %and3A_107 : vector<16xi32>
    %dma_start3A = arith.constant 0 : i32
    %dma_start3A_109 = arith.constant 0 : i32
    %dma_start3A_110 = tpu.memref_slice %arg5[%dma_start3A, %dma_start3A_109] : memref<20x512xi32, #tpu.memory_space<vmem>> -> memref<1x128xi32, #tpu.memory_space<vmem>>
    %dma_start3A_111 = tpu.memref_squeeze %dma_start3A_110 : memref<1x128xi32, #tpu.memory_space<vmem>> -> memref<128xi32, #tpu.memory_space<vmem>>
    %dma_start3A_112 = arith.constant 0 : i32
    %dma_start3A_113 = arith.constant 0 : i32
    %dma_start3A_114 = tpu.memref_slice %arg3[%dma_start3A_112, %dma_start3A_113] : memref<100001x64xf32, #tpu.memory_space<hbm>> -> memref<100001x64xf32, #tpu.memory_space<hbm>>
    tpu.enqueue_indirect_dma source(%dma_start3A_114 : memref<100001x64xf32, #tpu.memory_space<hbm>>) target(%arg6 : memref<128x64xf32, #tpu.memory_space<vmem>>) offsets(%dma_start3A_111 : memref<128xi32, #tpu.memory_space<vmem>>) semaphore(%arg10 : memref<!tpu.dma_semaphore, #tpu.memory_space<semaphore_mem>>)
    %dma_start3A_115 = arith.constant 0 : i32
    %dma_start3A_116 = arith.constant 128 : i32
    %dma_start3A_117 = tpu.memref_slice %arg5[%dma_start3A_115, %dma_start3A_116] : memref<20x512xi32, #tpu.memory_space<vmem>> -> memref<1x128xi32, #tpu.memory_space<vmem>>
    %dma_start3A_118 = tpu.memref_squeeze %dma_start3A_117 : memref<1x128xi32, #tpu.memory_space<vmem>> -> memref<128xi32, #tpu.memory_space<vmem>>
    %dma_start3A_119 = arith.constant 0 : i32
    %dma_start3A_120 = arith.constant 0 : i32
    %dma_start3A_121 = tpu.memref_slice %arg3[%dma_start3A_119, %dma_start3A_120] : memref<100001x64xf32, #tpu.memory_space<hbm>> -> memref<100001x64xf32, #tpu.memory_space<hbm>>
    tpu.enqueue_indirect_dma source(%dma_start3A_121 : memref<100001x64xf32, #tpu.memory_space<hbm>>) target(%arg7 : memref<128x64xf32, #tpu.memory_space<vmem>>) offsets(%dma_start3A_118 : memref<128xi32, #tpu.memory_space<vmem>>) semaphore(%arg11 : memref<!tpu.dma_semaphore, #tpu.memory_space<semaphore_mem>>)
    %scan3A = arith.constant 0 : i32
    %scan3A_122 = arith.constant 0 : i32
    %scan3A_123 = arith.constant 40 : i32
    %scan3A_124 = arith.addi %scan3A_122, %scan3A_123 : i32
    %scan3A_125 = arith.constant 1 : i32
    scf.for %scan3A_204 = %scan3A_122 to %scan3A_124 step %scan3A_125  : i32 {
      %mul3A_205 = arith.constant 2 : i32
      %mul3A_206 = arith.muli %mul3A_205, %scan3A_204 : i32
      %dma_wait3A_207 = arith.constant 0 : i32
      %dma_wait3A_208 = arith.constant 0 : i32
      %dma_wait3A_209 = tpu.memref_slice %arg3[%dma_wait3A_207, %dma_wait3A_208] : memref<100001x64xf32, #tpu.memory_space<hbm>> -> memref<128x64xf32, #tpu.memory_space<hbm>>
      %dma_wait3A_210 = arith.constant 0 : i32
      %dma_wait3A_211 = arith.constant 0 : i32
      %dma_wait3A_212 = tpu.memref_slice %arg3[%dma_wait3A_210, %dma_wait3A_211] : memref<100001x64xf32, #tpu.memory_space<hbm>> -> memref<128x64xf32, #tpu.memory_space<hbm>>
      tpu.wait_dma2 semaphore(%arg10 : memref<!tpu.dma_semaphore, #tpu.memory_space<semaphore_mem>>) src(%dma_wait3A_212 : memref<128x64xf32, #tpu.memory_space<hbm>>) dst(%arg6 : memref<128x64xf32, #tpu.memory_space<vmem>>)
      %gt3A = arith.constant 0 : i32
      %gt3A_213 = arith.cmpi sgt, %scan3A_204, %gt3A : i32
      %convert_element_type3A = arith.extui %gt3A_213 : i1 to i32
      %cond3A = arith.constant 0 : i32
      %cond3A_214 = arith.cmpi ne, %convert_element_type3A, %cond3A : i32
      scf.if %cond3A_214 {
        %dma_wait3A_421 = arith.constant 0 : i32
        %dma_wait3A_422 = arith.constant 0 : i32
        %dma_wait3A_423 = arith.constant 0 : i32
        %dma_wait3A_424 = arith.constant 0 : i32
        %dma_wait3A_425 = arith.constant 0 : i32
        %dma_wait3A_426 = tpu.memref_slice %arg8[%dma_wait3A_422, %dma_wait3A_423, %dma_wait3A_424, %dma_wait3A_425] : memref<8x1x8x129xf32, #tpu.memory_space<vmem>> -> memref<8x1x8x128xf32, #tpu.memory_space<vmem>>
        %dma_wait3A_427 = arith.constant 0 : i32
        %dma_wait3A_428 = arith.constant 0 : i32
        %dma_wait3A_429 = arith.constant 0 : i32
        %dma_wait3A_430 = arith.constant 0 : i32
        %dma_wait3A_431 = tpu.memref_slice %arg4[%dma_wait3A_421, %dma_wait3A_427, %dma_wait3A_428, %dma_wait3A_429, %dma_wait3A_430] : memref<20x8x128x8x128xf32, #tpu.memory_space<hbm>> -> memref<1x8x128x8x128xf32, #tpu.memory_space<hbm>>
        %dma_wait3A_432 = tpu.memref_squeeze %dma_wait3A_431 : memref<1x8x128x8x128xf32, #tpu.memory_space<hbm>> -> memref<8x128x8x128xf32, #tpu.memory_space<hbm>>
        %dma_wait3A_433 = arith.constant 0 : i32
        %dma_wait3A_434 = arith.constant 0 : i32
        %dma_wait3A_435 = arith.constant 0 : i32
        %dma_wait3A_436 = arith.constant 0 : i32
        %dma_wait3A_437 = tpu.memref_slice %dma_wait3A_432[%dma_wait3A_433, %dma_wait3A_434, %dma_wait3A_435, %dma_wait3A_436] : memref<8x128x8x128xf32, #tpu.memory_space<hbm>> -> memref<8x1x8x128xf32, #tpu.memory_space<hbm>>
        %dma_wait3A_438 = arith.constant 0 : i32
        %dma_wait3A_439 = arith.constant 0 : i32
        %dma_wait3A_440 = arith.constant 0 : i32
        %dma_wait3A_441 = arith.constant 0 : i32
        %dma_wait3A_442 = tpu.memref_slice %arg4[%dma_wait3A_421, %dma_wait3A_438, %dma_wait3A_439, %dma_wait3A_440, %dma_wait3A_441] : memref<20x8x128x8x128xf32, #tpu.memory_space<hbm>> -> memref<1x8x128x8x128xf32, #tpu.memory_space<hbm>>
        %dma_wait3A_443 = tpu.memref_squeeze %dma_wait3A_442 : memref<1x8x128x8x128xf32, #tpu.memory_space<hbm>> -> memref<8x128x8x128xf32, #tpu.memory_space<hbm>>
        %dma_wait3A_444 = arith.constant 0 : i32
        %dma_wait3A_445 = arith.constant 0 : i32
        %dma_wait3A_446 = arith.constant 0 : i32
        %dma_wait3A_447 = arith.constant 0 : i32
        %dma_wait3A_448 = tpu.memref_slice %dma_wait3A_443[%dma_wait3A_444, %dma_wait3A_445, %dma_wait3A_446, %dma_wait3A_447] : memref<8x128x8x128xf32, #tpu.memory_space<hbm>> -> memref<8x1x8x128xf32, #tpu.memory_space<hbm>>
        %dma_wait3A_449 = arith.constant 0 : i32
        %dma_wait3A_450 = arith.constant 0 : i32
        %dma_wait3A_451 = arith.constant 0 : i32
        %dma_wait3A_452 = arith.constant 0 : i32
        %dma_wait3A_453 = tpu.memref_slice %arg8[%dma_wait3A_449, %dma_wait3A_450, %dma_wait3A_451, %dma_wait3A_452] : memref<8x1x8x129xf32, #tpu.memory_space<vmem>> -> memref<8x1x8x128xf32, #tpu.memory_space<vmem>>
        tpu.wait_dma2 semaphore(%arg12 : memref<!tpu.dma_semaphore, #tpu.memory_space<semaphore_mem>>) src(%dma_wait3A_453 : memref<8x1x8x128xf32, #tpu.memory_space<vmem>>) dst(%dma_wait3A_448 : memref<8x1x8x128xf32, #tpu.memory_space<hbm>>)
      } else {
      }
      %parallel_loop3A = arith.constant 0 : i32
      %parallel_loop3A_215 = arith.constant 128 : i32
      %parallel_loop3A_216 = arith.constant 1 : i32
      scf.for %parallel_loop3A_421 = %parallel_loop3A to %parallel_loop3A_215 step %parallel_loop3A_216  : i32 {
        %parallel_loop3A_422 = vector.broadcast %parallel_loop3A_421 : i32 to vector<16xi32>
        %parallel_loop3A_423 = arith.index_cast %parallel_loop3A_421 : i32 to index
        %parallel_loop3A_424 = arith.constant 0 : index
        %parallel_loop3A_425 = tpu.vector_load %arg6[%parallel_loop3A_423, %parallel_loop3A_424] {strides = array<i32>} : memref<128x64xf32, #tpu.memory_space<vmem>>, vector<16xf32>,
        tpu.vector_store_idx %arg8[%shift_right_logical3A_67, %broadcast_in_dim3A_62, %and3A_90, %parallel_loop3A_422], %parallel_loop3A_425 : memref<8x1x8x129xf32, #tpu.memory_space<vmem>>[vector<16xi32>, vector<16xi32>, vector<16xi32>, vector<16xi32>], vector<16xf32>,
        %parallel_loop3A_426 = arith.index_cast %parallel_loop3A_421 : i32 to index
        %parallel_loop3A_427 = arith.constant 16 : index
        %parallel_loop3A_428 = tpu.vector_load %arg6[%parallel_loop3A_426, %parallel_loop3A_427] {strides = array<i32>} : memref<128x64xf32, #tpu.memory_space<vmem>>, vector<16xf32>,
        tpu.vector_store_idx %arg8[%shift_right_logical3A_73, %broadcast_in_dim3A_62, %and3A_96, %parallel_loop3A_422], %parallel_loop3A_428 : memref<8x1x8x129xf32, #tpu.memory_space<vmem>>[vector<16xi32>, vector<16xi32>, vector<16xi32>, vector<16xi32>], vector<16xf32>,
        %parallel_loop3A_429 = arith.index_cast %parallel_loop3A_421 : i32 to index
        %parallel_loop3A_430 = arith.constant 32 : index
        %parallel_loop3A_431 = tpu.vector_load %arg6[%parallel_loop3A_429, %parallel_loop3A_430] {strides = array<i32>} : memref<128x64xf32, #tpu.memory_space<vmem>>, vector<16xf32>,
        tpu.vector_store_idx %arg8[%shift_right_logical3A_79, %broadcast_in_dim3A_62, %and3A_102, %parallel_loop3A_422], %parallel_loop3A_431 : memref<8x1x8x129xf32, #tpu.memory_space<vmem>>[vector<16xi32>, vector<16xi32>, vector<16xi32>, vector<16xi32>], vector<16xf32>,
        %parallel_loop3A_432 = arith.index_cast %parallel_loop3A_421 : i32 to index
        %parallel_loop3A_433 = arith.constant 48 : index
        %parallel_loop3A_434 = tpu.vector_load %arg6[%parallel_loop3A_432, %parallel_loop3A_433] {strides = array<i32>} : memref<128x64xf32, #tpu.memory_space<vmem>>, vector<16xf32>,
        tpu.vector_store_idx %arg8[%shift_right_logical3A_85, %broadcast_in_dim3A_62, %and3A_108, %parallel_loop3A_422], %parallel_loop3A_434 : memref<8x1x8x129xf32, #tpu.memory_space<vmem>>[vector<16xi32>, vector<16xi32>, vector<16xi32>, vector<16xi32>], vector<16xf32>,
      } {sc.loop_unroll_factor = 8 : i64, sc.parallel_access}
      %jit3A = arith.constant 4 : i32
      %div3A = arith.divsi %mul3A_206, %jit3A : i32
      %sign3A = arith.constant 0 : i32
      %sign3A_217 = arith.cmpi sgt, %mul3A_206, %sign3A : i32
      %sign3A_218 = arith.extui %sign3A_217 : i1 to i32
      %sign3A_219 = arith.constant 0 : i32
      %sign3A_220 = arith.cmpi slt, %mul3A_206, %sign3A_219 : i32
      %sign3A_221 = arith.extui %sign3A_220 : i1 to i32
      %sign3A_222 = arith.subi %sign3A_218, %sign3A_221 : i32
      %sign3A_223 = arith.constant 0 : i32
      %sign3A_224 = arith.cmpi sgt, %jit3A, %sign3A_223 : i32
      %sign3A_225 = arith.extui %sign3A_224 : i1 to i32
      %sign3A_226 = arith.constant 0 : i32
      %sign3A_227 = arith.cmpi slt, %jit3A, %sign3A_226 : i32
      %sign3A_228 = arith.extui %sign3A_227 : i1 to i32
      %sign3A_229 = arith.subi %sign3A_225, %sign3A_228 : i32
      %ne3A = arith.cmpi ne, %sign3A_222, %sign3A_229 : i32
      %rem3A = arith.remsi %mul3A_206, %jit3A : i32
      %ne3A_230 = arith.constant 0 : i32
      %ne3A_231 = arith.cmpi ne, %rem3A, %ne3A_230 : i32
      %and3A_232 = arith.andi %ne3A, %ne3A_231 : i1
      %sub3A = arith.constant 1 : i32
      %sub3A_233 = arith.subi %div3A, %sub3A : i32
      %select_n3A = arith.select %and3A_232, %sub3A_233, %div3A : i32
      %mul3A_234 = arith.constant 4 : i32
      %mul3A_235 = arith.muli %select_n3A, %mul3A_234 : i32
      %sub3A_236 = arith.subi %mul3A_206, %mul3A_235 : i32
      %mul3A_237 = arith.constant 4 : i32
      %mul3A_238 = arith.muli %add3A, %mul3A_237 : i32
      %add3A_239 = arith.addi %mul3A_238, %sub3A_236 : i32
      %dma_start3A_240 = arith.constant 0 : i32
      %dma_start3A_241 = arith.constant 0 : i32
      %dma_start3A_242 = arith.constant 0 : i32
      %dma_start3A_243 = arith.constant 0 : i32
      %dma_start3A_244 = tpu.memref_slice %arg8[%dma_start3A_240, %dma_start3A_241, %dma_start3A_242, %dma_start3A_243] : memref<8x1x8x129xf32, #tpu.memory_space<vmem>> -> memref<8x1x8x128xf32, #tpu.memory_space<vmem>>
      %dma_start3A_245 = arith.constant 0 : i32
      %dma_start3A_246 = arith.constant 0 : i32
      %dma_start3A_247 = arith.constant 0 : i32
      %dma_start3A_248 = arith.constant 0 : i32
      %dma_start3A_249 = tpu.memref_slice %arg4[%select_n3A, %dma_start3A_245, %dma_start3A_246, %dma_start3A_247, %dma_start3A_248] : memref<20x8x128x8x128xf32, #tpu.memory_space<hbm>> -> memref<1x8x128x8x128xf32, #tpu.memory_space<hbm>>
      %dma_start3A_250 = tpu.memref_squeeze %dma_start3A_249 : memref<1x8x128x8x128xf32, #tpu.memory_space<hbm>> -> memref<8x128x8x128xf32, #tpu.memory_space<hbm>>
      %dma_start3A_251 = arith.constant 0 : i32
      %dma_start3A_252 = arith.constant 0 : i32
      %dma_start3A_253 = arith.constant 0 : i32
      %dma_start3A_254 = tpu.memref_slice %dma_start3A_250[%dma_start3A_251, %add3A_239, %dma_start3A_252, %dma_start3A_253] : memref<8x128x8x128xf32, #tpu.memory_space<hbm>> -> memref<8x1x8x128xf32, #tpu.memory_space<hbm>>
      %dma_start3A_255 = arith.constant 0 : i32
      %dma_start3A_256 = arith.constant 0 : i32
      %dma_start3A_257 = arith.constant 0 : i32
      %dma_start3A_258 = arith.constant 0 : i32
      %dma_start3A_259 = tpu.memref_slice %arg4[%select_n3A, %dma_start3A_255, %dma_start3A_256, %dma_start3A_257, %dma_start3A_258] : memref<20x8x128x8x128xf32, #tpu.memory_space<hbm>> -> memref<1x8x128x8x128xf32, #tpu.memory_space<hbm>>
      %dma_start3A_260 = tpu.memref_squeeze %dma_start3A_259 : memref<1x8x128x8x128xf32, #tpu.memory_space<hbm>> -> memref<8x128x8x128xf32, #tpu.memory_space<hbm>>
      %dma_start3A_261 = arith.constant 0 : i32
      %dma_start3A_262 = arith.constant 0 : i32
      %dma_start3A_263 = arith.constant 0 : i32
      %dma_start3A_264 = tpu.memref_slice %dma_start3A_260[%dma_start3A_261, %add3A_239, %dma_start3A_262, %dma_start3A_263] : memref<8x128x8x128xf32, #tpu.memory_space<hbm>> -> memref<8x1x8x128xf32, #tpu.memory_space<hbm>>
      %dma_start3A_265 = arith.constant 0 : i32
      %dma_start3A_266 = arith.constant 0 : i32
      %dma_start3A_267 = arith.constant 0 : i32
      %dma_start3A_268 = arith.constant 0 : i32
      %dma_start3A_269 = tpu.memref_slice %arg8[%dma_start3A_265, %dma_start3A_266, %dma_start3A_267, %dma_start3A_268] : memref<8x1x8x129xf32, #tpu.memory_space<vmem>> -> memref<8x1x8x128xf32, #tpu.memory_space<vmem>>
      tpu.enqueue_dma source(%dma_start3A_269 : memref<8x1x8x128xf32, #tpu.memory_space<vmem>>) target(%dma_start3A_264 : memref<8x1x8x128xf32, #tpu.memory_space<hbm>>) target_semaphore(%arg12 : memref<!tpu.dma_semaphore, #tpu.memory_space<semaphore_mem>>)
      %add3A_270 = arith.constant 2 : i32
      %add3A_271 = arith.addi %mul3A_206, %add3A_270 : i32
      %min3A = arith.constant 79 : i32
      %min3A_272 = arith.minsi %add3A_271, %min3A : i32
      %jit3A_273 = arith.constant 4 : i32
      %div3A_274 = arith.divsi %min3A_272, %jit3A_273 : i32
      %sign3A_275 = arith.constant 0 : i32
      %sign3A_276 = arith.cmpi sgt, %min3A_272, %sign3A_275 : i32
      %sign3A_277 = arith.extui %sign3A_276 : i1 to i32
      %sign3A_278 = arith.constant 0 : i32
      %sign3A_279 = arith.cmpi slt, %min3A_272, %sign3A_278 : i32
      %sign3A_280 = arith.extui %sign3A_279 : i1 to i32
      %sign3A_281 = arith.subi %sign3A_277, %sign3A_280 : i32
      %sign3A_282 = arith.constant 0 : i32
      %sign3A_283 = arith.cmpi sgt, %jit3A_273, %sign3A_282 : i32
      %sign3A_284 = arith.extui %sign3A_283 : i1 to i32
      %sign3A_285 = arith.constant 0 : i32
      %sign3A_286 = arith.cmpi slt, %jit3A_273, %sign3A_285 : i32
      %sign3A_287 = arith.extui %sign3A_286 : i1 to i32
      %sign3A_288 = arith.subi %sign3A_284, %sign3A_287 : i32
      %ne3A_289 = arith.cmpi ne, %sign3A_281, %sign3A_288 : i32
      %rem3A_290 = arith.remsi %min3A_272, %jit3A_273 : i32
      %ne3A_291 = arith.constant 0 : i32
      %ne3A_292 = arith.cmpi ne, %rem3A_290, %ne3A_291 : i32
      %and3A_293 = arith.andi %ne3A_289, %ne3A_292 : i1
      %sub3A_294 = arith.constant 1 : i32
      %sub3A_295 = arith.subi %div3A_274, %sub3A_294 : i32
      %select_n3A_296 = arith.select %and3A_293, %sub3A_295, %div3A_274 : i32
      %mul3A_297 = arith.constant 4 : i32
      %mul3A_298 = arith.muli %select_n3A_296, %mul3A_297 : i32
      %sub3A_299 = arith.subi %min3A_272, %mul3A_298 : i32
      %mul3A_300 = arith.constant 128 : i32
      %mul3A_301 = arith.muli %sub3A_299, %mul3A_300 : i32
      %dma_start3A_302 = tpu.memref_slice %arg5[%select_n3A_296, %mul3A_301] : memref<20x512xi32, #tpu.memory_space<vmem>> -> memref<1x128xi32, #tpu.memory_space<vmem>>
      %dma_start3A_303 = tpu.memref_squeeze %dma_start3A_302 : memref<1x128xi32, #tpu.memory_space<vmem>> -> memref<128xi32, #tpu.memory_space<vmem>>
      %dma_start3A_304 = arith.constant 0 : i32
      %dma_start3A_305 = arith.constant 0 : i32
      %dma_start3A_306 = tpu.memref_slice %arg3[%dma_start3A_304, %dma_start3A_305] : memref<100001x64xf32, #tpu.memory_space<hbm>> -> memref<100001x64xf32, #tpu.memory_space<hbm>>
      tpu.enqueue_indirect_dma source(%dma_start3A_306 : memref<100001x64xf32, #tpu.memory_space<hbm>>) target(%arg6 : memref<128x64xf32, #tpu.memory_space<vmem>>) offsets(%dma_start3A_303 : memref<128xi32, #tpu.memory_space<vmem>>) semaphore(%arg10 : memref<!tpu.dma_semaphore, #tpu.memory_space<semaphore_mem>>)
      %dma_wait3A_307 = arith.constant 0 : i32
      %dma_wait3A_308 = arith.constant 0 : i32
      %dma_wait3A_309 = tpu.memref_slice %arg3[%dma_wait3A_307, %dma_wait3A_308] : memref<100001x64xf32, #tpu.memory_space<hbm>> -> memref<128x64xf32, #tpu.memory_space<hbm>>
      %dma_wait3A_310 = arith.constant 0 : i32
      %dma_wait3A_311 = arith.constant 0 : i32
      %dma_wait3A_312 = tpu.memref_slice %arg3[%dma_wait3A_310, %dma_wait3A_311] : memref<100001x64xf32, #tpu.memory_space<hbm>> -> memref<128x64xf32, #tpu.memory_space<hbm>>
      tpu.wait_dma2 semaphore(%arg11 : memref<!tpu.dma_semaphore, #tpu.memory_space<semaphore_mem>>) src(%dma_wait3A_312 : memref<128x64xf32, #tpu.memory_space<hbm>>) dst(%arg7 : memref<128x64xf32, #tpu.memory_space<vmem>>)
      %gt3A_313 = arith.constant 0 : i32
      %gt3A_314 = arith.cmpi sgt, %scan3A_204, %gt3A_313 : i32
      %convert_element_type3A_315 = arith.extui %gt3A_314 : i1 to i32
      %cond3A_316 = arith.constant 0 : i32
      %cond3A_317 = arith.cmpi ne, %convert_element_type3A_315, %cond3A_316 : i32
      scf.if %cond3A_317 {
        %dma_wait3A_421 = arith.constant 0 : i32
        %dma_wait3A_422 = arith.constant 0 : i32
        %dma_wait3A_423 = arith.constant 0 : i32
        %dma_wait3A_424 = arith.constant 0 : i32
        %dma_wait3A_425 = arith.constant 0 : i32
        %dma_wait3A_426 = tpu.memref_slice %arg9[%dma_wait3A_422, %dma_wait3A_423, %dma_wait3A_424, %dma_wait3A_425] : memref<8x1x8x129xf32, #tpu.memory_space<vmem>> -> memref<8x1x8x128xf32, #tpu.memory_space<vmem>>
        %dma_wait3A_427 = arith.constant 0 : i32
        %dma_wait3A_428 = arith.constant 0 : i32
        %dma_wait3A_429 = arith.constant 0 : i32
        %dma_wait3A_430 = arith.constant 0 : i32
        %dma_wait3A_431 = tpu.memref_slice %arg4[%dma_wait3A_421, %dma_wait3A_427, %dma_wait3A_428, %dma_wait3A_429, %dma_wait3A_430] : memref<20x8x128x8x128xf32, #tpu.memory_space<hbm>> -> memref<1x8x128x8x128xf32, #tpu.memory_space<hbm>>
        %dma_wait3A_432 = tpu.memref_squeeze %dma_wait3A_431 : memref<1x8x128x8x128xf32, #tpu.memory_space<hbm>> -> memref<8x128x8x128xf32, #tpu.memory_space<hbm>>
        %dma_wait3A_433 = arith.constant 0 : i32
        %dma_wait3A_434 = arith.constant 0 : i32
        %dma_wait3A_435 = arith.constant 0 : i32
        %dma_wait3A_436 = arith.constant 0 : i32
        %dma_wait3A_437 = tpu.memref_slice %dma_wait3A_432[%dma_wait3A_433, %dma_wait3A_434, %dma_wait3A_435, %dma_wait3A_436] : memref<8x128x8x128xf32, #tpu.memory_space<hbm>> -> memref<8x1x8x128xf32, #tpu.memory_space<hbm>>
        %dma_wait3A_438 = arith.constant 0 : i32
        %dma_wait3A_439 = arith.constant 0 : i32
        %dma_wait3A_440 = arith.constant 0 : i32
        %dma_wait3A_441 = arith.constant 0 : i32
        %dma_wait3A_442 = tpu.memref_slice %arg4[%dma_wait3A_421, %dma_wait3A_438, %dma_wait3A_439, %dma_wait3A_440, %dma_wait3A_441] : memref<20x8x128x8x128xf32, #tpu.memory_space<hbm>> -> memref<1x8x128x8x128xf32, #tpu.memory_space<hbm>>
        %dma_wait3A_443 = tpu.memref_squeeze %dma_wait3A_442 : memref<1x8x128x8x128xf32, #tpu.memory_space<hbm>> -> memref<8x128x8x128xf32, #tpu.memory_space<hbm>>
        %dma_wait3A_444 = arith.constant 0 : i32
        %dma_wait3A_445 = arith.constant 0 : i32
        %dma_wait3A_446 = arith.constant 0 : i32
        %dma_wait3A_447 = arith.constant 0 : i32
        %dma_wait3A_448 = tpu.memref_slice %dma_wait3A_443[%dma_wait3A_444, %dma_wait3A_445, %dma_wait3A_446, %dma_wait3A_447] : memref<8x128x8x128xf32, #tpu.memory_space<hbm>> -> memref<8x1x8x128xf32, #tpu.memory_space<hbm>>
        %dma_wait3A_449 = arith.constant 0 : i32
        %dma_wait3A_450 = arith.constant 0 : i32
        %dma_wait3A_451 = arith.constant 0 : i32
        %dma_wait3A_452 = arith.constant 0 : i32
        %dma_wait3A_453 = tpu.memref_slice %arg9[%dma_wait3A_449, %dma_wait3A_450, %dma_wait3A_451, %dma_wait3A_452] : memref<8x1x8x129xf32, #tpu.memory_space<vmem>> -> memref<8x1x8x128xf32, #tpu.memory_space<vmem>>
        tpu.wait_dma2 semaphore(%arg13 : memref<!tpu.dma_semaphore, #tpu.memory_space<semaphore_mem>>) src(%dma_wait3A_453 : memref<8x1x8x128xf32, #tpu.memory_space<vmem>>) dst(%dma_wait3A_448 : memref<8x1x8x128xf32, #tpu.memory_space<hbm>>)
      } else {
      }
      %parallel_loop3A_318 = arith.constant 0 : i32
      %parallel_loop3A_319 = arith.constant 128 : i32
      %parallel_loop3A_320 = arith.constant 1 : i32
      scf.for %parallel_loop3A_421 = %parallel_loop3A_318 to %parallel_loop3A_319 step %parallel_loop3A_320  : i32 {
        %parallel_loop3A_422 = vector.broadcast %parallel_loop3A_421 : i32 to vector<16xi32>
        %parallel_loop3A_423 = arith.index_cast %parallel_loop3A_421 : i32 to index
        %parallel_loop3A_424 = arith.constant 0 : index
        %parallel_loop3A_425 = tpu.vector_load %arg7[%parallel_loop3A_423, %parallel_loop3A_424] {strides = array<i32>} : memref<128x64xf32, #tpu.memory_space<vmem>>, vector<16xf32>,
        tpu.vector_store_idx %arg9[%shift_right_logical3A_67, %broadcast_in_dim3A_62, %and3A_90, %parallel_loop3A_422], %parallel_loop3A_425 : memref<8x1x8x129xf32, #tpu.memory_space<vmem>>[vector<16xi32>, vector<16xi32>, vector<16xi32>, vector<16xi32>], vector<16xf32>,
        %parallel_loop3A_426 = arith.index_cast %parallel_loop3A_421 : i32 to index
        %parallel_loop3A_427 = arith.constant 16 : index
        %parallel_loop3A_428 = tpu.vector_load %arg7[%parallel_loop3A_426, %parallel_loop3A_427] {strides = array<i32>} : memref<128x64xf32, #tpu.memory_space<vmem>>, vector<16xf32>,
        tpu.vector_store_idx %arg9[%shift_right_logical3A_73, %broadcast_in_dim3A_62, %and3A_96, %parallel_loop3A_422], %parallel_loop3A_428 : memref<8x1x8x129xf32, #tpu.memory_space<vmem>>[vector<16xi32>, vector<16xi32>, vector<16xi32>, vector<16xi32>], vector<16xf32>,
        %parallel_loop3A_429 = arith.index_cast %parallel_loop3A_421 : i32 to index
        %parallel_loop3A_430 = arith.constant 32 : index
        %parallel_loop3A_431 = tpu.vector_load %arg7[%parallel_loop3A_429, %parallel_loop3A_430] {strides = array<i32>} : memref<128x64xf32, #tpu.memory_space<vmem>>, vector<16xf32>,
        tpu.vector_store_idx %arg9[%shift_right_logical3A_79, %broadcast_in_dim3A_62, %and3A_102, %parallel_loop3A_422], %parallel_loop3A_431 : memref<8x1x8x129xf32, #tpu.memory_space<vmem>>[vector<16xi32>, vector<16xi32>, vector<16xi32>, vector<16xi32>], vector<16xf32>,
        %parallel_loop3A_432 = arith.index_cast %parallel_loop3A_421 : i32 to index
        %parallel_loop3A_433 = arith.constant 48 : index
        %parallel_loop3A_434 = tpu.vector_load %arg7[%parallel_loop3A_432, %parallel_loop3A_433] {strides = array<i32>} : memref<128x64xf32, #tpu.memory_space<vmem>>, vector<16xf32>,
        tpu.vector_store_idx %arg9[%shift_right_logical3A_85, %broadcast_in_dim3A_62, %and3A_108, %parallel_loop3A_422], %parallel_loop3A_434 : memref<8x1x8x129xf32, #tpu.memory_space<vmem>>[vector<16xi32>, vector<16xi32>, vector<16xi32>, vector<16xi32>], vector<16xf32>,
      } {sc.loop_unroll_factor = 8 : i64, sc.parallel_access}
      %add3A_321 = arith.constant 1 : i32
      %add3A_322 = arith.addi %mul3A_206, %add3A_321 : i32
      %jit3A_323 = arith.constant 4 : i32
      %div3A_324 = arith.divsi %add3A_322, %jit3A_323 : i32
      %sign3A_325 = arith.constant 0 : i32
      %sign3A_326 = arith.cmpi sgt, %add3A_322, %sign3A_325 : i32
      %sign3A_327 = arith.extui %sign3A_326 : i1 to i32
      %sign3A_328 = arith.constant 0 : i32
      %sign3A_329 = arith.cmpi slt, %add3A_322, %sign3A_328 : i32
      %sign3A_330 = arith.extui %sign3A_329 : i1 to i32
      %sign3A_331 = arith.subi %sign3A_327, %sign3A_330 : i32
      %sign3A_332 = arith.constant 0 : i32
      %sign3A_333 = arith.cmpi sgt, %jit3A_323, %sign3A_332 : i32
      %sign3A_334 = arith.extui %sign3A_333 : i1 to i32
      %sign3A_335 = arith.constant 0 : i32
      %sign3A_336 = arith.cmpi slt, %jit3A_323, %sign3A_335 : i32
      %sign3A_337 = arith.extui %sign3A_336 : i1 to i32
      %sign3A_338 = arith.subi %sign3A_334, %sign3A_337 : i32
      %ne3A_339 = arith.cmpi ne, %sign3A_331, %sign3A_338 : i32
      %rem3A_340 = arith.remsi %add3A_322, %jit3A_323 : i32
      %ne3A_341 = arith.constant 0 : i32
      %ne3A_342 = arith.cmpi ne, %rem3A_340, %ne3A_341 : i32
      %and3A_343 = arith.andi %ne3A_339, %ne3A_342 : i1
      %sub3A_344 = arith.constant 1 : i32
      %sub3A_345 = arith.subi %div3A_324, %sub3A_344 : i32
      %select_n3A_346 = arith.select %and3A_343, %sub3A_345, %div3A_324 : i32
      %mul3A_347 = arith.constant 4 : i32
      %mul3A_348 = arith.muli %select_n3A_346, %mul3A_347 : i32
      %sub3A_349 = arith.subi %add3A_322, %mul3A_348 : i32
      %mul3A_350 = arith.constant 4 : i32
      %mul3A_351 = arith.muli %add3A, %mul3A_350 : i32
      %add3A_352 = arith.addi %mul3A_351, %sub3A_349 : i32
      %dma_start3A_353 = arith.constant 0 : i32
      %dma_start3A_354 = arith.constant 0 : i32
      %dma_start3A_355 = arith.constant 0 : i32
      %dma_start3A_356 = arith.constant 0 : i32
      %dma_start3A_357 = tpu.memref_slice %arg9[%dma_start3A_353, %dma_start3A_354, %dma_start3A_355, %dma_start3A_356] : memref<8x1x8x129xf32, #tpu.memory_space<vmem>> -> memref<8x1x8x128xf32, #tpu.memory_space<vmem>>
      %dma_start3A_358 = arith.constant 0 : i32
      %dma_start3A_359 = arith.constant 0 : i32
      %dma_start3A_360 = arith.constant 0 : i32
      %dma_start3A_361 = arith.constant 0 : i32
      %dma_start3A_362 = tpu.memref_slice %arg4[%select_n3A_346, %dma_start3A_358, %dma_start3A_359, %dma_start3A_360, %dma_start3A_361] : memref<20x8x128x8x128xf32, #tpu.memory_space<hbm>> -> memref<1x8x128x8x128xf32, #tpu.memory_space<hbm>>
      %dma_start3A_363 = tpu.memref_squeeze %dma_start3A_362 : memref<1x8x128x8x128xf32, #tpu.memory_space<hbm>> -> memref<8x128x8x128xf32, #tpu.memory_space<hbm>>
      %dma_start3A_364 = arith.constant 0 : i32
      %dma_start3A_365 = arith.constant 0 : i32
      %dma_start3A_366 = arith.constant 0 : i32
      %dma_start3A_367 = tpu.memref_slice %dma_start3A_363[%dma_start3A_364, %add3A_352, %dma_start3A_365, %dma_start3A_366] : memref<8x128x8x128xf32, #tpu.memory_space<hbm>> -> memref<8x1x8x128xf32, #tpu.memory_space<hbm>>
      %dma_start3A_368 = arith.constant 0 : i32
      %dma_start3A_369 = arith.constant 0 : i32
      %dma_start3A_370 = arith.constant 0 : i32
      %dma_start3A_371 = arith.constant 0 : i32
      %dma_start3A_372 = tpu.memref_slice %arg4[%select_n3A_346, %dma_start3A_368, %dma_start3A_369, %dma_start3A_370, %dma_start3A_371] : memref<20x8x128x8x128xf32, #tpu.memory_space<hbm>> -> memref<1x8x128x8x128xf32, #tpu.memory_space<hbm>>
      %dma_start3A_373 = tpu.memref_squeeze %dma_start3A_372 : memref<1x8x128x8x128xf32, #tpu.memory_space<hbm>> -> memref<8x128x8x128xf32, #tpu.memory_space<hbm>>
      %dma_start3A_374 = arith.constant 0 : i32
      %dma_start3A_375 = arith.constant 0 : i32
      %dma_start3A_376 = arith.constant 0 : i32
      %dma_start3A_377 = tpu.memref_slice %dma_start3A_373[%dma_start3A_374, %add3A_352, %dma_start3A_375, %dma_start3A_376] : memref<8x128x8x128xf32, #tpu.memory_space<hbm>> -> memref<8x1x8x128xf32, #tpu.memory_space<hbm>>
      %dma_start3A_378 = arith.constant 0 : i32
      %dma_start3A_379 = arith.constant 0 : i32
      %dma_start3A_380 = arith.constant 0 : i32
      %dma_start3A_381 = arith.constant 0 : i32
      %dma_start3A_382 = tpu.memref_slice %arg9[%dma_start3A_378, %dma_start3A_379, %dma_start3A_380, %dma_start3A_381] : memref<8x1x8x129xf32, #tpu.memory_space<vmem>> -> memref<8x1x8x128xf32, #tpu.memory_space<vmem>>
      tpu.enqueue_dma source(%dma_start3A_382 : memref<8x1x8x128xf32, #tpu.memory_space<vmem>>) target(%dma_start3A_377 : memref<8x1x8x128xf32, #tpu.memory_space<hbm>>) target_semaphore(%arg13 : memref<!tpu.dma_semaphore, #tpu.memory_space<semaphore_mem>>)
      %add3A_383 = arith.constant 3 : i32
      %add3A_384 = arith.addi %mul3A_206, %add3A_383 : i32
      %min3A_385 = arith.constant 79 : i32
      %min3A_386 = arith.minsi %add3A_384, %min3A_385 : i32
      %jit3A_387 = arith.constant 4 : i32
      %div3A_388 = arith.divsi %min3A_386, %jit3A_387 : i32
      %sign3A_389 = arith.constant 0 : i32
      %sign3A_390 = arith.cmpi sgt, %min3A_386, %sign3A_389 : i32
      %sign3A_391 = arith.extui %sign3A_390 : i1 to i32
      %sign3A_392 = arith.constant 0 : i32
      %sign3A_393 = arith.cmpi slt, %min3A_386, %sign3A_392 : i32
      %sign3A_394 = arith.extui %sign3A_393 : i1 to i32
      %sign3A_395 = arith.subi %sign3A_391, %sign3A_394 : i32
      %sign3A_396 = arith.constant 0 : i32
      %sign3A_397 = arith.cmpi sgt, %jit3A_387, %sign3A_396 : i32
      %sign3A_398 = arith.extui %sign3A_397 : i1 to i32
      %sign3A_399 = arith.constant 0 : i32
      %sign3A_400 = arith.cmpi slt, %jit3A_387, %sign3A_399 : i32
      %sign3A_401 = arith.extui %sign3A_400 : i1 to i32
      %sign3A_402 = arith.subi %sign3A_398, %sign3A_401 : i32
      %ne3A_403 = arith.cmpi ne, %sign3A_395, %sign3A_402 : i32
      %rem3A_404 = arith.remsi %min3A_386, %jit3A_387 : i32
      %ne3A_405 = arith.constant 0 : i32
      %ne3A_406 = arith.cmpi ne, %rem3A_404, %ne3A_405 : i32
      %and3A_407 = arith.andi %ne3A_403, %ne3A_406 : i1
      %sub3A_408 = arith.constant 1 : i32
      %sub3A_409 = arith.subi %div3A_388, %sub3A_408 : i32
      %select_n3A_410 = arith.select %and3A_407, %sub3A_409, %div3A_388 : i32
      %mul3A_411 = arith.constant 4 : i32
      %mul3A_412 = arith.muli %select_n3A_410, %mul3A_411 : i32
      %sub3A_413 = arith.subi %min3A_386, %mul3A_412 : i32
      %mul3A_414 = arith.constant 128 : i32
      %mul3A_415 = arith.muli %sub3A_413, %mul3A_414 : i32
      %dma_start3A_416 = tpu.memref_slice %arg5[%select_n3A_410, %mul3A_415] : memref<20x512xi32, #tpu.memory_space<vmem>> -> memref<1x128xi32, #tpu.memory_space<vmem>>
      %dma_start3A_417 = tpu.memref_squeeze %dma_start3A_416 : memref<1x128xi32, #tpu.memory_space<vmem>> -> memref<128xi32, #tpu.memory_space<vmem>>
      %dma_start3A_418 = arith.constant 0 : i32
      %dma_start3A_419 = arith.constant 0 : i32
      %dma_start3A_420 = tpu.memref_slice %arg3[%dma_start3A_418, %dma_start3A_419] : memref<100001x64xf32, #tpu.memory_space<hbm>> -> memref<100001x64xf32, #tpu.memory_space<hbm>>
      tpu.enqueue_indirect_dma source(%dma_start3A_420 : memref<100001x64xf32, #tpu.memory_space<hbm>>) target(%arg7 : memref<128x64xf32, #tpu.memory_space<vmem>>) offsets(%dma_start3A_417 : memref<128xi32, #tpu.memory_space<vmem>>) semaphore(%arg11 : memref<!tpu.dma_semaphore, #tpu.memory_space<semaphore_mem>>)
    }
    %scan3A_126 = arith.constant 40 : i32
    %dma_wait3A = arith.constant 0 : i32
    %dma_wait3A_127 = arith.constant 0 : i32
    %dma_wait3A_128 = tpu.memref_slice %arg3[%dma_wait3A, %dma_wait3A_127] : memref<100001x64xf32, #tpu.memory_space<hbm>> -> memref<128x64xf32, #tpu.memory_space<hbm>>
    %dma_wait3A_129 = arith.constant 0 : i32
    %dma_wait3A_130 = arith.constant 0 : i32
    %dma_wait3A_131 = tpu.memref_slice %arg3[%dma_wait3A_129, %dma_wait3A_130] : memref<100001x64xf32, #tpu.memory_space<hbm>> -> memref<128x64xf32, #tpu.memory_space<hbm>>
    tpu.wait_dma2 semaphore(%arg10 : memref<!tpu.dma_semaphore, #tpu.memory_space<semaphore_mem>>) src(%dma_wait3A_131 : memref<128x64xf32, #tpu.memory_space<hbm>>) dst(%arg6 : memref<128x64xf32, #tpu.memory_space<vmem>>)
    %dma_wait3A_132 = arith.constant 0 : i32
    %dma_wait3A_133 = arith.constant 0 : i32
    %dma_wait3A_134 = tpu.memref_slice %arg3[%dma_wait3A_132, %dma_wait3A_133] : memref<100001x64xf32, #tpu.memory_space<hbm>> -> memref<128x64xf32, #tpu.memory_space<hbm>>
    %dma_wait3A_135 = arith.constant 0 : i32
    %dma_wait3A_136 = arith.constant 0 : i32
    %dma_wait3A_137 = tpu.memref_slice %arg3[%dma_wait3A_135, %dma_wait3A_136] : memref<100001x64xf32, #tpu.memory_space<hbm>> -> memref<128x64xf32, #tpu.memory_space<hbm>>
    tpu.wait_dma2 semaphore(%arg11 : memref<!tpu.dma_semaphore, #tpu.memory_space<semaphore_mem>>) src(%dma_wait3A_137 : memref<128x64xf32, #tpu.memory_space<hbm>>) dst(%arg7 : memref<128x64xf32, #tpu.memory_space<vmem>>)
    %dma_wait3A_138 = arith.constant 0 : i32
    %dma_wait3A_139 = arith.constant 0 : i32
    %dma_wait3A_140 = arith.constant 0 : i32
    %dma_wait3A_141 = arith.constant 0 : i32
    %dma_wait3A_142 = arith.constant 0 : i32
    %dma_wait3A_143 = tpu.memref_slice %arg8[%dma_wait3A_139, %dma_wait3A_140, %dma_wait3A_141, %dma_wait3A_142] : memref<8x1x8x129xf32, #tpu.memory_space<vmem>> -> memref<8x1x8x128xf32, #tpu.memory_space<vmem>>
    %dma_wait3A_144 = arith.constant 0 : i32
    %dma_wait3A_145 = arith.constant 0 : i32
    %dma_wait3A_146 = arith.constant 0 : i32
    %dma_wait3A_147 = arith.constant 0 : i32
    %dma_wait3A_148 = tpu.memref_slice %arg4[%dma_wait3A_138, %dma_wait3A_144, %dma_wait3A_145, %dma_wait3A_146, %dma_wait3A_147] : memref<20x8x128x8x128xf32, #tpu.memory_space<hbm>> -> memref<1x8x128x8x128xf32, #tpu.memory_space<hbm>>
    %dma_wait3A_149 = tpu.memref_squeeze %dma_wait3A_148 : memref<1x8x128x8x128xf32, #tpu.memory_space<hbm>> -> memref<8x128x8x128xf32, #tpu.memory_space<hbm>>
    %dma_wait3A_150 = arith.constant 0 : i32
    %dma_wait3A_151 = arith.constant 0 : i32
    %dma_wait3A_152 = arith.constant 0 : i32
    %dma_wait3A_153 = arith.constant 0 : i32
    %dma_wait3A_154 = tpu.memref_slice %dma_wait3A_149[%dma_wait3A_150, %dma_wait3A_151, %dma_wait3A_152, %dma_wait3A_153] : memref<8x128x8x128xf32, #tpu.memory_space<hbm>> -> memref<8x1x8x128xf32, #tpu.memory_space<hbm>>
    %dma_wait3A_155 = arith.constant 0 : i32
    %dma_wait3A_156 = arith.constant 0 : i32
    %dma_wait3A_157 = arith.constant 0 : i32
    %dma_wait3A_158 = arith.constant 0 : i32
    %dma_wait3A_159 = tpu.memref_slice %arg4[%dma_wait3A_138, %dma_wait3A_155, %dma_wait3A_156, %dma_wait3A_157, %dma_wait3A_158] : memref<20x8x128x8x128xf32, #tpu.memory_space<hbm>> -> memref<1x8x128x8x128xf32, #tpu.memory_space<hbm>>
    %dma_wait3A_160 = tpu.memref_squeeze %dma_wait3A_159 : memref<1x8x128x8x128xf32, #tpu.memory_space<hbm>> -> memref<8x128x8x128xf32, #tpu.memory_space<hbm>>
    %dma_wait3A_161 = arith.constant 0 : i32
    %dma_wait3A_162 = arith.constant 0 : i32
    %dma_wait3A_163 = arith.constant 0 : i32
    %dma_wait3A_164 = arith.constant 0 : i32
    %dma_wait3A_165 = tpu.memref_slice %dma_wait3A_160[%dma_wait3A_161, %dma_wait3A_162, %dma_wait3A_163, %dma_wait3A_164] : memref<8x128x8x128xf32, #tpu.memory_space<hbm>> -> memref<8x1x8x128xf32, #tpu.memory_space<hbm>>
    %dma_wait3A_166 = arith.constant 0 : i32
    %dma_wait3A_167 = arith.constant 0 : i32
    %dma_wait3A_168 = arith.constant 0 : i32
    %dma_wait3A_169 = arith.constant 0 : i32
    %dma_wait3A_170 = tpu.memref_slice %arg8[%dma_wait3A_166, %dma_wait3A_167, %dma_wait3A_168, %dma_wait3A_169] : memref<8x1x8x129xf32, #tpu.memory_space<vmem>> -> memref<8x1x8x128xf32, #tpu.memory_space<vmem>>
    tpu.wait_dma2 semaphore(%arg12 : memref<!tpu.dma_semaphore, #tpu.memory_space<semaphore_mem>>) src(%dma_wait3A_170 : memref<8x1x8x128xf32, #tpu.memory_space<vmem>>) dst(%dma_wait3A_165 : memref<8x1x8x128xf32, #tpu.memory_space<hbm>>)
    %dma_wait3A_171 = arith.constant 0 : i32
    %dma_wait3A_172 = arith.constant 0 : i32
    %dma_wait3A_173 = arith.constant 0 : i32
    %dma_wait3A_174 = arith.constant 0 : i32
    %dma_wait3A_175 = arith.constant 0 : i32
    %dma_wait3A_176 = tpu.memref_slice %arg9[%dma_wait3A_172, %dma_wait3A_173, %dma_wait3A_174, %dma_wait3A_175] : memref<8x1x8x129xf32, #tpu.memory_space<vmem>> -> memref<8x1x8x128xf32, #tpu.memory_space<vmem>>
    %dma_wait3A_177 = arith.constant 0 : i32
    %dma_wait3A_178 = arith.constant 0 : i32
    %dma_wait3A_179 = arith.constant 0 : i32
    %dma_wait3A_180 = arith.constant 0 : i32
    %dma_wait3A_181 = tpu.memref_slice %arg4[%dma_wait3A_171, %dma_wait3A_177, %dma_wait3A_178, %dma_wait3A_179, %dma_wait3A_180] : memref<20x8x128x8x128xf32, #tpu.memory_space<hbm>> -> memref<1x8x128x8x128xf32, #tpu.memory_space<hbm>>
    %dma_wait3A_182 = tpu.memref_squeeze %dma_wait3A_181 : memref<1x8x128x8x128xf32, #tpu.memory_space<hbm>> -> memref<8x128x8x128xf32, #tpu.memory_space<hbm>>
    %dma_wait3A_183 = arith.constant 0 : i32
    %dma_wait3A_184 = arith.constant 0 : i32
    %dma_wait3A_185 = arith.constant 0 : i32
    %dma_wait3A_186 = arith.constant 0 : i32
    %dma_wait3A_187 = tpu.memref_slice %dma_wait3A_182[%dma_wait3A_183, %dma_wait3A_184, %dma_wait3A_185, %dma_wait3A_186] : memref<8x128x8x128xf32, #tpu.memory_space<hbm>> -> memref<8x1x8x128xf32, #tpu.memory_space<hbm>>
    %dma_wait3A_188 = arith.constant 0 : i32
    %dma_wait3A_189 = arith.constant 0 : i32
    %dma_wait3A_190 = arith.constant 0 : i32
    %dma_wait3A_191 = arith.constant 0 : i32
    %dma_wait3A_192 = tpu.memref_slice %arg4[%dma_wait3A_171, %dma_wait3A_188, %dma_wait3A_189, %dma_wait3A_190, %dma_wait3A_191] : memref<20x8x128x8x128xf32, #tpu.memory_space<hbm>> -> memref<1x8x128x8x128xf32, #tpu.memory_space<hbm>>
    %dma_wait3A_193 = tpu.memref_squeeze %dma_wait3A_192 : memref<1x8x128x8x128xf32, #tpu.memory_space<hbm>> -> memref<8x128x8x128xf32, #tpu.memory_space<hbm>>
    %dma_wait3A_194 = arith.constant 0 : i32
    %dma_wait3A_195 = arith.constant 0 : i32
    %dma_wait3A_196 = arith.constant 0 : i32
    %dma_wait3A_197 = arith.constant 0 : i32
    %dma_wait3A_198 = tpu.memref_slice %dma_wait3A_193[%dma_wait3A_194, %dma_wait3A_195, %dma_wait3A_196, %dma_wait3A_197] : memref<8x128x8x128xf32, #tpu.memory_space<hbm>> -> memref<8x1x8x128xf32, #tpu.memory_space<hbm>>
    %dma_wait3A_199 = arith.constant 0 : i32
    %dma_wait3A_200 = arith.constant 0 : i32
    %dma_wait3A_201 = arith.constant 0 : i32
    %dma_wait3A_202 = arith.constant 0 : i32
    %dma_wait3A_203 = tpu.memref_slice %arg9[%dma_wait3A_199, %dma_wait3A_200, %dma_wait3A_201, %dma_wait3A_202] : memref<8x1x8x129xf32, #tpu.memory_space<vmem>> -> memref<8x1x8x128xf32, #tpu.memory_space<vmem>>
    tpu.wait_dma2 semaphore(%arg13 : memref<!tpu.dma_semaphore, #tpu.memory_space<semaphore_mem>>) src(%dma_wait3A_203 : memref<8x1x8x128xf32, #tpu.memory_space<vmem>>) dst(%dma_wait3A_198 : memref<8x1x8x128xf32, #tpu.memory_space<hbm>>)
    return
  }
}

</mosaic_0001>

<sc_bundles>
// kernel: kernel.3.cloned.1.call-start
scs
__scs_entry_jumppad:
0x0: {  	(pc) =	sbr.rel $0x88, $3  }
0x1: {  	(tag) =	ssettag $0x0;
	lr =	simm.s32 $0x1  }
0x2: {  	[smem:$0x3F9F] =	sst lr;
	_ =	strace $0xD0000000  }
0x3: {  	_ = 	snop  }
0x4: {  	_ = 	snop  }
0x5: {  	_ = 	snop  }
0x6: {  	_ = 	snop  }
0x7: {  	_ = 	snop  }
__scs_overlays_trampoline_lowered:
0x8: {  	[smem:$0x3FAE] =	sst s0  }
0x9: {  	[smem:$0x3FAF] =	sst s1  }
0xa: {  	[smem:$0x3FB0] =	sst s2  }
0xb: {  	[smem:$0x3FB1] =	sst s3  }
0xc: {  	[smem:$0x3FB2] =	sst s4  }
0xd: {  	[smem:$0x3FB3] =	sst s5  }
0xe: {  	[smem:$0x3FB4] =	sst s6  }
0xf: {  	[smem:$0x3FB5] =	sst s7  }
0x10: {  	[smem:$0x3FB6] =	sst s8  }
0x11: {  	[smem:$0x3FB7] =	sst s9;
	s0 =	simm.s32 @!p0 $0x0  }
0x12: {  	s1 =	sld [smem:$0x3F9D];
	s0 =	simm.s32 @p0 $0x1  }
0x13: {  	[smem:$0x3FB8] =	sst s0;
	s0 =	simm.s32 @!p1 $0x0  }
0x14: {  	s2 =	sld [smem:$0x3F9C];
	s0 =	simm.s32 @p1 $0x1  }
0x15: {  	[smem:$0x3FB9] =	sst s0;
	s0 =	simm.s32 @!p2 $0x0  }
0x16: {  	s3 =	sld [smem:$0x3FDB];
	s0 =	simm.s32 @p2 $0x1  }
0x17: {  	s4 =	simm.s32 $0x1BF5;
	[smem:$0x3FBB] =	sst s0  }
0x18: {  	s0 =	sld [smem:$0x3F9E];
	_ =	swait.ge [sflag:s4], $0x0  }
0x19: {  	s7 =	sld [smem:$0x3F9F]  }
0x1a: {  	s8 =	sadd.s32 $0xFFFFE003, lr  }
0x1b: {  	s9 =	sadd.s32 $0xFFFFFEF7, lr;
	s5 =	simm.s32 $0xFFFFFFFF;
	p2 =	slt.u32 s8, $0xFFFFF086  }
0x1c: {  	p1 =	slt.u32 s9, $0xF7A;
	s5 =	simm.s32 @!p2 $0x0  }
0x1d: {  	s5 =	simm.s32 @p1 $0x1;
	p0 =	seq.s32 s7, s2  }
0x1e: {  	s7 =	smul.u32 @!p0 $0xF7A, s2;
	p2 =	seq.s32 @!p0 s5, $0x0  }
0x1f: {  	s9 =	smul.u32 $0xF7A, s1;
	s8 =	simm.s32 @!p0 $0x1BF5;
	p2 =	por !p2, p0  }
0x20: {  	[sflag:s8] =	ssyncset.s32 @!p0 $0xFFFFF086;
	s6 =	sadd.s32 @!p0 s3, s7;
	s7 =	simm.s32 @!p0 $0x108  }
0x21: {  	s3 =	sadd.s32 s3, s9;
	s6 =	sadd.s32 @!p0 $0x88, s6;
	s7 =	simm.s32 @p2 $0x1082  }
0x22: {  	[simem:s7], [sflag:s8] =	dma.local @!p0 [hbm:s6], $0xF7A  }
0x23: {  	s9 =	sor.u32 $0xD0000000, s2;
	s6 =	simm.s32 $0x108;
	_ =	swait.ge @!p0 [sflag:s8], $0x0  }
0x24: {  	s3 =	sadd.s32 $0x88, s3;
	s6 =	simm.s32 @!p1 $0x1082;
	[sflag:s4] =	ssyncset.s32 $0xFFFFF086  }
0x25: {  	[simem:s6], [sflag:s4] =	dma.local [hbm:s3], $0xF7A  }
0x26: {  	[smem:$0x3F9F] =	sst s1;
	(tag) =	ssettag s2;
	_ =	strace s9  }
0x27: {  	s1 =	sld [smem:$0x3FAF]  }
0x28: {  	s2 =	sld [smem:$0x3FB0]  }
0x29: {  	s4 =	sld [smem:$0x3FB2]  }
0x2a: {  	p0 =	seq.s32 s5, $0x0;
	s5 =	sld [smem:$0x3FB3]  }
0x2b: {  	s6 =	sld [smem:$0x3FB4]  }
0x2c: {  	s7 =	sld [smem:$0x3FB5]  }
0x2d: {  	s3 =	simm.s32 $0x108;
	s8 =	sld [smem:$0x3FB6]  }
0x2e: {  	s3 =	simm.s32 @!p0 $0x1082;
	s9 =	sld [smem:$0x3FB7]  }
0x2f: {  	lr =	sadd.s32 s0, s3;
	s0 =	sld [smem:$0x3FAE]  }
0x30: {  	s3 =	sld [smem:$0x3FB1]  }
0x31: {  	[smem:$0x3FBA] =	sst s10  }
0x32: {  	s10 =	sld [smem:$0x3FB8];
	_ =	sdelay $0x3  }
0x33: {  	p0 =	seq.s32 s10, $0x1;
	s10 =	sld [smem:$0x3FBA];
	_ =	sdelay $0x3  }
0x34: {  	[smem:$0x3FBA] =	sst s10  }
0x35: {  	s10 =	sld [smem:$0x3FB9];
	_ =	sdelay $0x3  }
0x36: {  	p1 =	seq.s32 s10, $0x1;
	s10 =	sld [smem:$0x3FBA];
	_ =	sdelay $0x3  }
0x37: {  	[smem:$0x3FBA] =	sst s10  }
0x38: {  	s10 =	sld [smem:$0x3FBB]  }
0x39: {  	_ = 	snop;
	(pc) =	sbr.ind lr, $3  }
0x3a: {  	_ = 	snop  }
0x3b: {  	_ = 	snop  }
0x3c: {  	p2 =	seq.s32 s10, $0x1;
	s10 =	sld [smem:$0x3FBA]  }
0x3d: {  	_ =	shalt  }
0x3e: {  	_ =	shalt  }
0x3f: {  	_ =	shalt  }
0x40: {  	_ =	shalt  }
0x41: {  	_ =	shalt  }
0x42: {  	_ =	shalt  }
0x43: {  	_ =	shalt  }
0x44: {  	_ =	shalt  }
0x45: {  	_ =	shalt  }
0x46: {  	_ =	shalt  }
0x47: {  	_ =	shalt  }
0x48: {  	_ =	shalt  }
0x49: {  	_ =	shalt  }
0x4a: {  	_ =	shalt  }
0x4b: {  	_ =	shalt  }
0x4c: {  	_ =	shalt  }
0x4d: {  	_ =	shalt  }
0x4e: {  	_ =	shalt  }
0x4f: {  	_ =	shalt  }
0x50: {  	_ =	shalt  }
0x51: {  	_ =	shalt  }
0x52: {  	_ =	shalt  }
0x53: {  	_ =	shalt  }
0x54: {  	_ =	shalt  }
0x55: {  	_ =	shalt  }
0x56: {  	_ =	shalt  }
0x57: {  	_ =	shalt  }
0x58: {  	_ =	shalt  }
0x59: {  	_ =	shalt  }
0x5a: {  	_ =	shalt  }
0x5b: {  	_ =	shalt  }
0x5c: {  	_ =	shalt  }
0x5d: {  	_ =	shalt  }
0x5e: {  	_ =	shalt  }
0x5f: {  	_ =	shalt  }
0x60: {  	_ =	shalt  }
0x61: {  	_ =	shalt  }
0x62: {  	_ =	shalt  }
0x63: {  	_ =	shalt  }
0x64: {  	_ =	shalt  }
0x65: {  	_ =	shalt  }
0x66: {  	_ =	shalt  }
0x67: {  	_ =	shalt  }
0x68: {  	_ =	shalt  }
0x69: {  	_ =	shalt  }
0x6a: {  	_ =	shalt  }
0x6b: {  	_ =	shalt  }
0x6c: {  	_ =	shalt  }
0x6d: {  	_ =	shalt  }
0x6e: {  	_ =	shalt  }
0x6f: {  	_ =	shalt  }
0x70: {  	_ =	shalt  }
0x71: {  	_ =	shalt  }
0x72: {  	_ =	shalt  }
0x73: {  	_ =	shalt  }
0x74: {  	_ =	shalt  }
0x75: {  	_ =	shalt  }
0x76: {  	_ =	shalt  }
0x77: {  	_ =	shalt  }
0x78: {  	_ =	shalt  }
0x79: {  	_ =	shalt  }
0x7a: {  	_ =	shalt  }
0x7b: {  	_ =	shalt  }
0x7c: {  	_ =	shalt  }
0x7d: {  	_ =	shalt  }
0x7e: {  	_ =	shalt  }
0x7f: {  	_ =	shalt  }
0x80: {  	_ =	shalt  }
0x81: {  	_ =	shalt  }
0x82: {  	_ =	shalt  }
0x83: {  	_ =	shalt  }
0x84: {  	_ =	shalt  }
0x85: {  	_ =	shalt  }
0x86: {  	_ =	shalt  }
0x87: {  	_ =	shalt  }
.Lfunc_end0:
.L_simem_size_0:
called_computation_lowered:
.L_overlay_start_0:
0x88: {  	s2 =	sld [smem:$0x3FD9]  }
0x89: {  	s3 =	sld [smem:$0x3FFE];
	_ =	sdelay $0x1  }
0x8a: {  	s1 =	srdreg.scid  }
0x8b: {  	s0 =	sand.u32 $0x1, s1  }
0x8c: {  	s17 =	sshll.u32 s0, $0xA;
	s2 =	sadd.s32 s3, s2  }
0x8d: {  	s2 =	sadd.s32 s2, s17  }
0x8e: {  	[smem:$0x3FC6] =	sst s2  }
0x8f: {  	_ = 	snop  }
0x90: {  	s2 =	sld [smem:$0x3FD0];
	(tm) =	ssettm $0x1  }
0x91: {  	s18 =	sld [smem:$0x3FFB];
	_ =	sdelay $0x3  }
0x92: {  	_ =	strace s18  }
0x93: {  	s3 =	sld [smem:$0x3FFC];
	_ =	sdelay $0x3  }
0x94: {  	_ =	strace s3  }
0x95: {  	s3 =	sld [smem:$0x3FFD];
	_ =	sdelay $0x3  }
0x96: {  	_ =	strace s3  }
0x97: {  	_ =	strace $0x8FFFFFFF  }
0x98: {  	s19 =	sld [smem:$0x3FDB];
	_ =	sdelay $0x1  }
0x99: {  	s4 =	simm.s32 $_scs_section_size  }
0x9a: {  	s5 =	simm.s32 $_size__tile_overlayer_lowered;
	s6 =	simm.s32 $_tile_overlayer_lowered  }
0x9b: {  	s22 =	simm.s32 $0x1BFF;
	s21 =	sshll.u32 s6, $0x1;
	s3 =	sadd.s32 s4, s19  }
0x9c: {  	s7 =	simm.s32 $0x0;
	s20 =	sshll.u32 s5, $0x1;
	s5 =	sadd.s32 s21, s3  }
0x9d: {  	[timem:s7], [sflag:s22] =	dma.local [hbm:s5], s20  }
0x9e: {  	_ =	swait.ge [sflag:s22], s20  }
0x9f: {  	s4 =	ssub.s32 $0x0, s20;
	[sflag:s22] =	ssyncset.done $0x0  }
0xa0: {  	[sflag:s22] =	ssyncadd.s32 s4;
	_ =	sdelay $0x1  }
0xa1: {  	s23 =	simm.s32 $0x1B8B  }
0xa2: {  	_ =	swait.ge [sflag:s23], $0x1  }
0xa3: {  	[sflag:s23] =	ssyncset.done $0x0  }
0xa4: {  	s25 =	simm.s32 $0x1B8E;
	s24 =	sld [smem:$0x3FFE];
	[sflag:s23] =	ssyncadd.s32 $0xFFFFFFFF  }
0xa5: {  	s26 =	simm.s32 $execute0_lowered;
	[smem:$0x3FD2] =	sst s25  }
0xa6: {  	s5 =	sshll.u32 s26, $0x1;
	_ =	strace $0x80000046;
	[dreg:$0x1] =	wrdreg $0xFFFFFFFF  }
0xa7: {  	s28 =	simm.s32 $_size_execute0_lowered;
	s3 =	sadd.s32 s3, s5;
	[dreg:$0x0] =	wrdreg $0x0  }
0xa8: {  	s5 =	sshll.u32 s28, $0x1;
	[dreg:$0x2] =	wrdreg s3  }
0xa9: {  	[dreg:$0x3] =	wrdreg s5  }
0xaa: {  	[dreg:$0x4] =	wrdreg $0xC0  }
0xab: {  	_ =	task [dreg:s7], $0x5FFFF  }
0xac: {  	[dreg:$0x1] =	wrdreg $0xFFFFFFFF  }
0xad: {  	[dreg:$0x0] =	wrdreg $0x60  }
0xae: {  	[dreg:$0x2] =	wrdreg s24  }
0xaf: {  	[dreg:$0x3] =	wrdreg s2  }
0xb0: {  	[dreg:$0x4] =	wrdreg $0x9  }
0xb1: {  	_ =	task.clear_ibuf [dreg:s7], $0x5FFFF;
	_ =	strace $0x90000046  }
0xb2: {  	s29 =	simm.s32 $0x9;
	_ =	strace $0x80000048  }
0xb3: {  	_ =	swait.ge [sflag:s29], $0x1  }
0xb4: {  	[sflag:s29] =	ssyncadd.s32 $0xFFFFFFFF  }
0xb5: {  	_ =	strace $0x90000048  }
0xb6: {  	_ =	sfence  }
0xb7: {  	s30 =	sld [smem:$0x0];
	_ =	sdelay $0x2  }
0xb8: {  	s31 =	sshll.u32 s1, $0xD;
	s1 =	sshrl.u32 s1, $0x2  }
0xb9: {  	s3 =	sand.u32 $0x4000, s31;
	s1 =	sadd.s32 s1, s30  }
0xba: {  	s0 =	sor.u32 s3, s0;
	s1 =	sshll.u32 s1, $0x11  }
0xbb: {  	s0 =	sor.u32 s1, s0  }
0xbc: {  	s0 =	sadd.s32 $0x8F2B, s0  }
0xbd: {  	[sflag:s0] =	ssyncadd.remote.s32 $0x1  }
0xbe: {  	_ =	sfence.sel $0xFFFF  }
0xbf: {  	[dreg:$0x0] =	wrdreg $0xFFFFFFFF;
	(pc) =	sbr.abs _section_cstart, $3  }
0xc0: {  	[dreg:$0x1] =	wrdreg $0xFFFFFFFF  }
0xc1: {  	_ =	task.clear_ibuf [dreg:s7], $0x2FFFF;
	_ =	strace $0x9FFFFFFF  }
0xc2: {  	(tm) =	ssettm $0x7FFFFFFF  }
0xc3: {  	_ =	shalt  }
tec
execute0_lowered:
.L_overlay_start_1:
0x0: {  	(tag) =	ssettag $0x1  }
0x1: {  	s1 =	srdreg.scid;
	s4 =	stileid.u32  }
0x2: {  	s1 =	sand.u32 $0x1, s1;
	s4 =	sshll.u32 s4, $0x1  }
0x3: {  	s5 =	sor.u32 s1, s4  }
0x4: {  	s0 =	rddreg [dreg:$0x0];
	s4 =	sshll.u32 s5, $0x6  }
0x5: {  	s2 =	rddreg [dreg:$0x1];
	s3 =	simm.s32 $0x0;
	s6 =	sadd.s32 s4, s0  }
0x6: {  	[smem:$0x7FF] =	sst s3;
	s11 =	sadd.s32 $0x400, s6  }
0x7: {  	_ =	strace $0x80000047;
	s12 =	sadd.s32 $0xC00, s6;
	[dreg:$0x3] =	wrdreg s11  }
0x8: {  	s13 =	sadd.s32 $0x1400, s6;
	[dreg:$0x4] =	wrdreg s12  }
0x9: {  	s14 =	sadd.s32 $0x1C00, s6;
	[dreg:$0x5] =	wrdreg s13  }
0xa: {  	s15 =	sadd.s32 $0x2400, s6;
	[dreg:$0x6] =	wrdreg s14  }
0xb: {  	s29 =	simm.s32 $0x5;
	s16 =	sadd.s32 $0x2C00, s6;
	[dreg:$0x7] =	wrdreg s15  }
0xc: {  	v0 =	vlaneseq.u32;
	s30 =	simm.s32 $0x2800;
	s17 =	sadd.s32 $0x3400, s6;
	[dreg:$0x8] =	wrdreg s16  }
0xd: {  	s31 =	simm.s32 $0x4800;
	v0 =	vmul.u32 $0x88, v0;
	s18 =	sadd.s32 $0x3C00, s6;
	[dreg:$0x9] =	wrdreg s17  }
0xe: {  	v1 =	vimm.s32 $0x0;
	vm0 =	vcmask $0x300;
	s7 =	simm.s32 $0x8A00;
	s19 =	sadd.s32 $0x4400, s6;
	[dreg:$0xa] =	wrdreg s18  }
0xf: {  	s8 =	simm.s32 $0x3;
	v1 =	vsel vm0, $0x3, v1;
	v2 =	vadd.s32 $0x880, v0;
	s20 =	sadd.s32 $0x4C00, s6;
	[dreg:$0xb] =	wrdreg s19  }
0x10: {  	s9 =	simm.s32 $0x4;
	v3 =	vadd.s32 $0x1100, v0;
	v4 =	vadd.s32 $0x1980, v0;
	v5 =	vor.u32 $0x1, v0;
	s21 =	sadd.s32 $0x5400, s6;
	[dreg:$0xc] =	wrdreg s20  }
0x11: {  	s1 =	ssub.s32 $0x2, s1;
	v6 =	vadd.s32 $0x881, v0;
	v7 =	vadd.s32 $0x1101, v0;
	v8 =	vadd.s32 $0x1981, v0;
	s22 =	sadd.s32 $0x5C00, s6;
	[dreg:$0xd] =	wrdreg s21  }
0x12: {  	s10 =	sshrl.u32 s1, $0x1;
	v9 =	vor.u32 $0x2, v0;
	v10 =	vadd.s32 $0x882, v0;
	v11 =	vadd.s32 $0x1102, v0;
	s23 =	sadd.s32 $0x6400, s6;
	[dreg:$0xe] =	wrdreg s22  }
0x13: {  	v12 =	vadd.s32 $0x1982, v0;
	v13 =	vor.u32 $0x3, v0;
	v14 =	vadd.s32 $0x883, v0;
	s4 =	sadd.s32 $0xA400, s0;
	s24 =	sadd.s32 $0x6C00, s6;
	[dreg:$0xf] =	wrdreg s23  }
0x14: {  	v15 =	vadd.s32 $0x1103, v0;
	v16 =	vadd.s32 $0x1983, v0;
	v17 =	vor.u32 $0x4, v0;
	s0 =	ssub.s32 s1, s10;
	s25 =	sadd.s32 $0x7400, s6;
	[dreg:$0x10] =	wrdreg s24  }
0x15: {  	v18 =	vadd.s32 $0x884, v0;
	v19 =	vadd.s32 $0x1104, v0;
	v20 =	vadd.s32 $0x1984, v0;
	s1 =	simm.s32 $0x80;
	s26 =	sadd.s32 $0x7C00, s6;
	[dreg:$0x11] =	wrdreg s25  }
0x16: {  	v21 =	vor.u32 $0x5, v0;
	v22 =	vadd.s32 $0x885, v0;
	v23 =	vadd.s32 $0x1105, v0;
	s10 =	simm.s32 $0x0;
	[dreg:$0x12] =	wrdreg s26;
	s21 =	sadd.s32 $0x8400, s6  }
0x17: {  	v24 =	vadd.s32 $0x1985, v0;
	v25 =	vor.u32 $0x6, v0;
	v26 =	vadd.s32 $0x886, v0;
	s22 =	sadd.s32 $0x8C00, s6;
	s23 =	sshll.u32 s5, $0x2;
	s24 =	sadd.s32 $0x9400, s6  }
0x18: {  	v27 =	vadd.s32 $0x1106, v0;
	v28 =	vadd.s32 $0x1986, v0;
	v29 =	vor.u32 $0x7, v0;
	s25 =	sadd.s32 $0x9C00, s6;
	s26 =	smax.u32 s0, $0x1;
	s0 =	simm.s32 $0x1  }
0x19: {  	v30 =	vadd.s32 $0x887, v0;
	v31 =	vadd.s32 $0x1107, v0;
	v32 =	vadd.s32 $0x1987, v0;
	s5 =	simm.s32 $0x6800;
	s6 =	simm.s32 $0x2;
	s28 =	sor.u32 $0x1, s23  }
.LBB2_1:
0x1a: {  	s11 =	rddreg [dreg:$0x3]  }
0x1b: {  	[tilespmem:s3], [sflag:$0x5] =	stream.linear.gather [hbm4b:s11+s3], $0x200, $0x38;
	[tilespmem:$0xAC00] =	vst v63  }
0x1c: {  	_ =	swait.ge [sflag:s29], $0x200  }
0x1d: {  	[sflag:s29] =	ssyncset.done $0x0  }
0x1e: {  	s12 =	simm.s32 $0x200;
	s20 =	rddreg [dreg:$0x4];
	[sflag:s29] =	ssyncadd.s32 $0xFFFFFE00  }
0x1f: {  	[tilespmem:s12], [sflag:$0x5] =	stream.linear.gather [hbm4b:s20+s3], $0x200, $0x38;
	[tilespmem:$0xAC00] =	vst v63  }
0x20: {  	_ =	swait.ge [sflag:s29], $0x200  }
0x21: {  	[sflag:s29] =	ssyncset.done $0x0  }
0x22: {  	s14 =	simm.s32 $0x400;
	s13 =	rddreg [dreg:$0x5];
	[sflag:s29] =	ssyncadd.s32 $0xFFFFFE00  }
0x23: {  	[tilespmem:s14], [sflag:$0x5] =	stream.linear.gather [hbm4b:s13+s3], $0x200, $0x38;
	[tilespmem:$0xAC00] =	vst v63  }
0x24: {  	_ =	swait.ge [sflag:s29], $0x200  }
0x25: {  	[sflag:s29] =	ssyncset.done $0x0  }
0x26: {  	s16 =	simm.s32 $0x600;
	s15 =	rddreg [dreg:$0x6];
	[sflag:s29] =	ssyncadd.s32 $0xFFFFFE00  }
0x27: {  	[tilespmem:s16], [sflag:$0x5] =	stream.linear.gather [hbm4b:s15+s3], $0x200, $0x38;
	[tilespmem:$0xAC00] =	vst v63  }
0x28: {  	_ =	swait.ge [sflag:s29], $0x200  }
0x29: {  	[sflag:s29] =	ssyncset.done $0x0  }
0x2a: {  	s18 =	simm.s32 $0x800;
	s17 =	rddreg [dreg:$0x7];
	[sflag:s29] =	ssyncadd.s32 $0xFFFFFE00  }
0x2b: {  	[tilespmem:s18], [sflag:$0x5] =	stream.linear.gather [hbm4b:s17+s3], $0x200, $0x38;
	[tilespmem:$0xAC00] =	vst v63  }
0x2c: {  	_ =	swait.ge [sflag:s29], $0x200  }
0x2d: {  	[sflag:s29] =	ssyncset.done $0x0  }
0x2e: {  	s20 =	simm.s32 $0xA00;
	s19 =	rddreg [dreg:$0x8];
	[sflag:s29] =	ssyncadd.s32 $0xFFFFFE00  }
0x2f: {  	[tilespmem:s20], [sflag:$0x5] =	stream.linear.gather [hbm4b:s19+s3], $0x200, $0x38;
	[tilespmem:$0xAC00] =	vst v63  }
0x30: {  	_ =	swait.ge [sflag:s29], $0x200  }
0x31: {  	[sflag:s29] =	ssyncset.done $0x0  }
0x32: {  	s14 =	simm.s32 $0xC00;
	s13 =	rddreg [dreg:$0x9];
	[sflag:s29] =	ssyncadd.s32 $0xFFFFFE00  }
0x33: {  	[tilespmem:s14], [sflag:$0x5] =	stream.linear.gather [hbm4b:s13+s3], $0x200, $0x38;
	[tilespmem:$0xAC00] =	vst v63  }
0x34: {  	_ =	swait.ge [sflag:s29], $0x200  }
0x35: {  	[sflag:s29] =	ssyncset.done $0x0  }
0x36: {  	s16 =	simm.s32 $0xE00;
	s15 =	rddreg [dreg:$0xa];
	[sflag:s29] =	ssyncadd.s32 $0xFFFFFE00  }
0x37: {  	[tilespmem:s16], [sflag:$0x5] =	stream.linear.gather [hbm4b:s15+s3], $0x200, $0x38;
	[tilespmem:$0xAC00] =	vst v63  }
0x38: {  	_ =	swait.ge [sflag:s29], $0x200  }
0x39: {  	[sflag:s29] =	ssyncset.done $0x0  }
0x3a: {  	s18 =	simm.s32 $0x1000;
	s17 =	rddreg [dreg:$0xb];
	[sflag:s29] =	ssyncadd.s32 $0xFFFFFE00  }
0x3b: {  	[tilespmem:s18], [sflag:$0x5] =	stream.linear.gather [hbm4b:s17+s3], $0x200, $0x38;
	[tilespmem:$0xAC00] =	vst v63  }
0x3c: {  	_ =	swait.ge [sflag:s29], $0x200  }
0x3d: {  	[sflag:s29] =	ssyncset.done $0x0  }
0x3e: {  	s20 =	simm.s32 $0x1200;
	s19 =	rddreg [dreg:$0xc];
	[sflag:s29] =	ssyncadd.s32 $0xFFFFFE00  }
0x3f: {  	[tilespmem:s20], [sflag:$0x5] =	stream.linear.gather [hbm4b:s19+s3], $0x200, $0x38;
	[tilespmem:$0xAC00] =	vst v63  }
0x40: {  	_ =	swait.ge [sflag:s29], $0x200  }
0x41: {  	[sflag:s29] =	ssyncset.done $0x0  }
0x42: {  	s14 =	simm.s32 $0x1400;
	s13 =	rddreg [dreg:$0xd];
	[sflag:s29] =	ssyncadd.s32 $0xFFFFFE00  }
0x43: {  	[tilespmem:s14], [sflag:$0x5] =	stream.linear.gather [hbm4b:s13+s3], $0x200, $0x38;
	[tilespmem:$0xAC00] =	vst v63  }
0x44: {  	_ =	swait.ge [sflag:s29], $0x200  }
0x45: {  	[sflag:s29] =	ssyncset.done $0x0  }
0x46: {  	s16 =	simm.s32 $0x1600;
	s15 =	rddreg [dreg:$0xe];
	[sflag:s29] =	ssyncadd.s32 $0xFFFFFE00  }
0x47: {  	[tilespmem:s16], [sflag:$0x5] =	stream.linear.gather [hbm4b:s15+s3], $0x200, $0x38;
	[tilespmem:$0xAC00] =	vst v63  }
0x48: {  	_ =	swait.ge [sflag:s29], $0x200  }
0x49: {  	[sflag:s29] =	ssyncset.done $0x0  }
0x4a: {  	s18 =	simm.s32 $0x1800;
	s17 =	rddreg [dreg:$0xf];
	[sflag:s29] =	ssyncadd.s32 $0xFFFFFE00  }
0x4b: {  	[tilespmem:s18], [sflag:$0x5] =	stream.linear.gather [hbm4b:s17+s3], $0x200, $0x38;
	[tilespmem:$0xAC00] =	vst v63  }
0x4c: {  	_ =	swait.ge [sflag:s29], $0x200  }
0x4d: {  	[sflag:s29] =	ssyncset.done $0x0  }
0x4e: {  	s20 =	simm.s32 $0x1A00;
	s19 =	rddreg [dreg:$0x10];
	[sflag:s29] =	ssyncadd.s32 $0xFFFFFE00  }
0x4f: {  	[tilespmem:s20], [sflag:$0x5] =	stream.linear.gather [hbm4b:s19+s3], $0x200, $0x38;
	[tilespmem:$0xAC00] =	vst v63  }
0x50: {  	_ =	swait.ge [sflag:s29], $0x200  }
0x51: {  	[sflag:s29] =	ssyncset.done $0x0  }
0x52: {  	s14 =	simm.s32 $0x1C00;
	s13 =	rddreg [dreg:$0x11];
	[sflag:s29] =	ssyncadd.s32 $0xFFFFFE00  }
0x53: {  	[tilespmem:s14], [sflag:$0x5] =	stream.linear.gather [hbm4b:s13+s3], $0x200, $0x38;
	[tilespmem:$0xAC00] =	vst v63  }
0x54: {  	_ =	swait.ge [sflag:s29], $0x200  }
0x55: {  	[sflag:s29] =	ssyncset.done $0x0  }
0x56: {  	s16 =	simm.s32 $0x1E00;
	s15 =	rddreg [dreg:$0x12];
	[sflag:s29] =	ssyncadd.s32 $0xFFFFFE00  }
0x57: {  	[tilespmem:s16], [sflag:$0x5] =	stream.linear.gather [hbm4b:s15+s3], $0x200, $0x38;
	[tilespmem:$0xAC00] =	vst v63  }
0x58: {  	_ =	swait.ge [sflag:s29], $0x200  }
0x59: {  	[sflag:s29] =	ssyncset.done $0x0  }
0x5a: {  	s17 =	simm.s32 $0x2000;
	[sflag:s29] =	ssyncadd.s32 $0xFFFFFE00  }
0x5b: {  	[tilespmem:s17], [sflag:$0x5] =	stream.linear.gather [hbm4b:s21+s3], $0x200, $0x38;
	[tilespmem:$0xAC00] =	vst v63  }
0x5c: {  	_ =	swait.ge [sflag:s29], $0x200  }
0x5d: {  	[sflag:s29] =	ssyncset.done $0x0  }
0x5e: {  	s18 =	simm.s32 $0x2200;
	[sflag:s29] =	ssyncadd.s32 $0xFFFFFE00  }
0x5f: {  	[tilespmem:s18], [sflag:$0x5] =	stream.linear.gather [hbm4b:s22+s3], $0x200, $0x38;
	[tilespmem:$0xAC00] =	vst v63  }
0x60: {  	_ =	swait.ge [sflag:s29], $0x200  }
0x61: {  	[sflag:s29] =	ssyncset.done $0x0  }
0x62: {  	s19 =	simm.s32 $0x2400;
	[sflag:s29] =	ssyncadd.s32 $0xFFFFFE00  }
0x63: {  	[tilespmem:s19], [sflag:$0x5] =	stream.linear.gather [hbm4b:s24+s3], $0x200, $0x38;
	[tilespmem:$0xAC00] =	vst v63  }
0x64: {  	_ =	swait.ge [sflag:s29], $0x200  }
0x65: {  	[sflag:s29] =	ssyncset.done $0x0  }
0x66: {  	s20 =	simm.s32 $0x2600;
	[sflag:s29] =	ssyncadd.s32 $0xFFFFFE00  }
0x67: {  	[tilespmem:s20], [sflag:$0x5] =	stream.linear.gather [hbm4b:s25+s3], $0x200, $0x38;
	[tilespmem:$0xAC00] =	vst v63  }
0x68: {  	_ =	swait.ge [sflag:s29], $0x200  }
0x69: {  	[sflag:s29] =	ssyncset.done $0x0  }
0x6a: {  	[sflag:s29] =	ssyncadd.s32 $0xFFFFFE00  }
0x6b: {  	[tilespmem:s30], [sflag:$0x1] =	stream.indirect.gather [hbm4b:s4+s1], $0x40, s3, s1, $0xb8;
	[tilespmem:$0xAC00] =	vst v63  }
0x6c: {  	s11 =	simm.s32 $0x0  }
0x6d: {  	[tilespmem:s31], [sflag:$0x2] =	stream.indirect.gather [hbm4b:s4+s1], $0x40, s1, s1, $0xb8;
	[tilespmem:$0xAC00] =	vst v63  }
.LBB2_2:
0x6e: {  	s12 =	simm.s32 $0x0;
	s16 =	simm.s32 $0x1;
	s13 =	simm.s32 $0x2  }
0x6f: {  	s17 =	simm.s32 $0x3;
	s18 =	simm.s32 $0x4;
	s14 =	simm.s32 $0x7;
	v33 =	vmov s12;
	v34 =	vmov s16;
	v35 =	vmov s13  }
0x70: {  	_ =	swait.ge [sflag:s0], $0x2000;
	s19 =	simm.s32 $0x5;
	s20 =	simm.s32 $0x6;
	v36 =	vmov s17;
	v37 =	vmov s18;
	v38 =	vmov s14  }
0x71: {  	p0 =	seq.s32 s11, $0x0;
	[sflag:s0] =	ssyncset.done $0x0;
	v39 =	vmov s19;
	v40 =	vmov s20;
	v33 =	vshrl.u32 v33, $0x3  }
0x72: {  	s13 =	simm.s32 @!p0 $0x3;
	[sflag:s0] =	ssyncadd.s32 $0xFFFFE000;
	v38 =	vshrl.u32 v38, $0x3;
	v34 =	vshrl.u32 v34, $0x3;
	v35 =	vshrl.u32 v35, $0x3  }
0x73: {  	v36 =	vshrl.u32 v36, $0x3;
	v37 =	vshrl.u32 v37, $0x3;
	_ =	swait.ge @!p0 [sflag:s13], $0x2000;
	v38 =	vshll.u32 v38, v1  }
0x74: {  	v55 =	vshrl.u32 v39, $0x3;
	v33 =	vshll.u32 v33, v1;
	[sflag:s13] =	ssyncset.done @!p0 $0x0;
	v38 =	vbroadcast v38, $0x0  }
0x75: {  	v40 =	vshrl.u32 v40, $0x3;
	v34 =	vshll.u32 v34, v1;
	v33 =	vbroadcast v33, $0x0;
	[sflag:s13] =	ssyncadd.s32 @!p0 $0xFFFFE000;
	s13 =	simm.s32 $0x2900  }
0x76: {  	v51 =	vshll.u32 v35, v1;
	v47 =	vbroadcast v34, $0x0;
	v41 =	vld [tilespmem:s13+$0xC0];
	v42 =	vadd.s32 v29, v38  }
0x77: {  	v52 =	vshll.u32 v36, v1;
	v53 =	vbroadcast v51, $0x0;
	v43 =	vld [tilespmem:s13+$0xFFFFFF00];
	v44 =	vadd.s32 v0, v33  }
0x78: {  	v54 =	vshll.u32 v37, v1;
	v35 =	vbroadcast v52, $0x0;
	v45 =	vld [tilespmem:s13+$0xFFFFFF40];
	v46 =	vadd.s32 v5, v47  }
0x79: {  	v36 =	vshll.u32 v55, v1;
	v34 =	vbroadcast v54, $0x0;
	v48 =	vld [tilespmem:s13+$0xFFFFFF80];
	v49 =	vadd.s32 v9, v53  }
0x7a: {  	v56 =	vshll.u32 v40, v1;
	v37 =	vbroadcast v36, $0x0;
	v39 =	vld [tilespmem:s13+$0xFFFFFFC0];
	v50 =	vadd.s32 v13, v35  }
0x7b: {  	v36 =	vbroadcast v56, $0x0;
	v51 =	vld [tilespmem:s13+$0x0];
	v52 =	vadd.s32 v17, v34;
	[tilespmem:v42+s5+$0x0] =	vst.idx.msk $0xffff, v41  }
0x7c: {  	v59 =	vld [tilespmem:s13+$0x40];
	v60 =	vadd.s32 v21, v37;
	[tilespmem:v44+s5+$0x0] =	vst.idx.msk $0xffff, v43  }
0x7d: {  	v61 =	vld [tilespmem:s13+$0x80];
	v62 =	vadd.s32 v25, v36;
	[tilespmem:v46+s5+$0x0] =	vst.idx.msk $0xffff, v45  }
0x7e: {  	v58 =	vadd.s32 v30, v38;
	[tilespmem:v49+s5+$0x0] =	vst.idx.msk $0xffff, v48;
	v57 =	vld [tilespmem:s13+$0xD0]  }
0x7f: {  	v63 =	vadd.s32 v6, v47;
	[tilespmem:v50+s5+$0x0] =	vst.idx.msk $0xffff, v39;
	v46 =	vld [tilespmem:s13+$0xFFFFFF50]  }
0x80: {  	v55 =	vadd.s32 v10, v53;
	[tilespmem:v52+s5+$0x0] =	vst.idx.msk $0xffff, v51;
	v54 =	vld [tilespmem:s13+$0xFFFFFF90]  }
0x81: {  	v56 =	vadd.s32 v14, v35;
	[tilespmem:v60+s5+$0x0] =	vst.idx.msk $0xffff, v59;
	v50 =	vld [tilespmem:s13+$0xFFFFFFD0]  }
0x82: {  	[tilespmem:v62+s5+$0x0] =	vst.idx.msk $0xffff, v61;
	v45 =	vadd.s32 v22, v37;
	v44 =	vld [tilespmem:s13+$0x50]  }
0x83: {  	v59 =	vadd.s32 v18, v34;
	[tilespmem:v58+s5+$0x0] =	vst.idx.msk $0xffff, v57;
	v58 =	vld [tilespmem:s13+$0x10]  }
0x84: {  	v57 =	vadd.s32 v31, v38;
	[tilespmem:v63+s5+$0x0] =	vst.idx.msk $0xffff, v46;
	v40 =	vld [tilespmem:s13+$0xE0]  }
0x85: {  	v60 =	vadd.s32 v26, v36;
	[tilespmem:v55+s5+$0x0] =	vst.idx.msk $0xffff, v54;
	v63 =	vld [tilespmem:s13+$0x90]  }
0x86: {  	v62 =	vadd.s32 v2, v33;
	v61 =	vld [tilespmem:s13+$0xFFFFFF10];
	[tilespmem:v56+s5+$0x0] =	vst.idx.msk $0xffff, v50  }
0x87: {  	v51 =	vadd.s32 v7, v47;
	[tilespmem:v45+s5+$0x0] =	vst.idx.msk $0xffff, v44;
	v50 =	vld [tilespmem:s13+$0xFFFFFF60]  }
0x88: {  	v56 =	vadd.s32 v11, v53;
	v55 =	vld [tilespmem:s13+$0xFFFFFFA0];
	[tilespmem:v59+s5+$0x0] =	vst.idx.msk $0xffff, v58  }
0x89: {  	v58 =	vadd.s32 v15, v35;
	[tilespmem:v57+s5+$0x0] =	vst.idx.msk $0xffff, v40;
	v57 =	vld [tilespmem:s13+$0xFFFFFFE0]  }
0x8a: {  	[tilespmem:v60+s5+$0x0] =	vst.idx.msk $0xffff, v63;
	v60 =	vadd.s32 v19, v34;
	v59 =	vld [tilespmem:s13+$0x20]  }
0x8b: {  	s15 =	simm.s32 $0x9;
	v38 =	vadd.s32 v32, v38;
	[tilespmem:v62+s5+$0x0] =	vst.idx.msk $0xffff, v61;
	v54 =	vld [tilespmem:s13+$0xF0]  }
0x8c: {  	s14 =	simm.s32 $0x8;
	v41 =	vadd.s32 v23, v37;
	v52 =	vmov s15;
	[tilespmem:v51+s5+$0x0] =	vst.idx.msk $0xffff, v50;
	v40 =	vld [tilespmem:s13+$0x60]  }
0x8d: {  	s17 =	simm.s32 $0xB;
	s18 =	simm.s32 $0xC;
	v43 =	vadd.s32 v27, v36;
	v48 =	vadd.s32 v3, v33;
	v63 =	vmov s14;
	v42 =	vld [tilespmem:s13+$0xA0];
	[tilespmem:v56+s5+$0x0] =	vst.idx.msk $0xffff, v55  }
0x8e: {  	s20 =	simm.s32 $0xE;
	v44 =	vmov s17;
	v46 =	vmov s18;
	v45 =	vld [tilespmem:s13+$0xFFFFFF20];
	v39 =	vshrl.u32 v63, $0x3;
	[tilespmem:v58+s5+$0x0] =	vst.idx.msk $0xffff, v57  }
0x8f: {  	s16 =	simm.s32 $0xA;
	s19 =	simm.s32 $0xD;
	v51 =	vadd.s32 v8, v47;
	v49 =	vld [tilespmem:s13+$0xFFFFFF70];
	v47 =	vshll.u32 v39, v1;
	v39 =	vmov s20;
	[tilespmem:v60+s5+$0x0] =	vst.idx.msk $0xffff, v59  }
0x90: {  	s12 =	sshll.u32 s11, $0x1;
	s15 =	simm.s32 $0xF;
	v53 =	vadd.s32 v12, v53;
	s14 =	simm.s32 $0x10;
	v50 =	vld [tilespmem:s13+$0xFFFFFFB0];
	[tilespmem:v38+s5+$0x0] =	vst.idx.msk $0xffff, v54;
	v54 =	vmov s16;
	v38 =	vmov s19  }
.LBB2_3:
0x91: {  	p1 =	slt.u32 s14, $0x78;
	v52 =	vshrl.u32 v52, $0x3;
	v55 =	vmov s15;
	v56 =	vld [tilespmem:s13+$0xFFFFFFF0];
	v35 =	vadd.s32 v16, v35;
	[tilespmem:v41+s5+$0x0] =	vst.idx.msk $0xffff, v40  }
0x92: {  	v40 =	vshrl.u32 v54, $0x3;
	v34 =	vadd.s32 v20, v34;
	v41 =	vshrl.u32 v55, $0x3;
	v54 =	vld [tilespmem:s13+$0x30];
	[tilespmem:v43+s5+$0x0] =	vst.idx.msk $0xffff, v42  }
0x93: {  	v37 =	vadd.s32 v24, v37;
	v42 =	vshrl.u32 v44, $0x3;
	v41 =	vshll.u32 v41, v1;
	[tilespmem:v48+s5+$0x0] =	vst.idx.msk $0xffff, v45;
	v43 =	vld [tilespmem:s13+$0x70]  }
0x94: {  	v36 =	vadd.s32 v28, v36;
	v44 =	vshrl.u32 v46, $0x3;
	v41 =	vbroadcast v41, $0x0;
	[tilespmem:v51+s5+$0x0] =	vst.idx.msk $0xffff, v49;
	v45 =	vld [tilespmem:s13+$0xB0]  }
0x95: {  	v46 =	vshll.u32 v52, v1;
	v49 =	vadd.s32 v4, v33;
	v33 =	vbroadcast v47, $0x0;
	v48 =	vld [tilespmem:s13+$0xFFFFFF30];
	[tilespmem:v53+s5+$0x0] =	vst.idx.msk $0xffff, v50;
	s13 =	sadd.s32 $0x200, s13  }
0x96: {  	v40 =	vshll.u32 v40, v1;
	v47 =	vbroadcast v46, $0x0;
	v46 =	vld [tilespmem:s13+$0xC0];
	v50 =	vadd.s32 v29, v41;
	[tilespmem:v35+s5+$0x0] =	vst.idx.msk $0xffff, v56  }
0x97: {  	v53 =	vbroadcast v40, $0x0;
	v52 =	vadd.s32 v0, v33;
	v35 =	vshll.u32 v42, v1;
	v51 =	vld [tilespmem:s13+$0xFFFFFF00];
	[tilespmem:v34+s5+$0x0] =	vst.idx.msk $0xffff, v54  }
0x98: {  	v42 =	vadd.s32 v5, v47;
	v35 =	vbroadcast v35, $0x0;
	v34 =	vshll.u32 v44, v1;
	v40 =	vld [tilespmem:s13+$0xFFFFFF40];
	[tilespmem:v37+s5+$0x0] =	vst.idx.msk $0xffff, v43  }
0x99: {  	v44 =	vadd.s32 v9, v53;
	v34 =	vbroadcast v34, $0x0;
	v37 =	vshrl.u32 v38, $0x3;
	v43 =	vld [tilespmem:s13+$0xFFFFFF80];
	[tilespmem:v36+s5+$0x0] =	vst.idx.msk $0xffff, v45  }
0x9a: {  	v39 =	vshrl.u32 v39, $0x3;
	v45 =	vadd.s32 v13, v35;
	v36 =	vshll.u32 v37, v1;
	v38 =	vld [tilespmem:s13+$0xFFFFFFC0];
	[tilespmem:v49+s5+$0x0] =	vst.idx.msk $0xffff, v48  }
0x9b: {  	v49 =	vadd.s32 v17, v34;
	v37 =	vbroadcast v36, $0x0;
	v36 =	vshll.u32 v39, v1;
	v48 =	vld [tilespmem:s13+$0x0];
	[tilespmem:v50+s5+$0x0] =	vst.idx.msk $0xffff, v46  }
0x9c: {  	v36 =	vbroadcast v36, $0x0;
	v46 =	vadd.s32 v30, v41;
	[tilespmem:v52+s5+$0x0] =	vst.idx.msk $0xffff, v51;
	v39 =	vld [tilespmem:s13+$0xD0]  }
0x9d: {  	[tilespmem:v42+s5+$0x0] =	vst.idx.msk $0xffff, v40;
	v40 =	vld [tilespmem:s13+$0x40];
	v42 =	vadd.s32 v21, v37  }
0x9e: {  	[tilespmem:v44+s5+$0x0] =	vst.idx.msk $0xffff, v43;
	v43 =	vld [tilespmem:s13+$0x80];
	v44 =	vadd.s32 v25, v36  }
0x9f: {  	v51 =	vadd.s32 v6, v47;
	v50 =	vld [tilespmem:s13+$0xFFFFFF50];
	[tilespmem:v45+s5+$0x0] =	vst.idx.msk $0xffff, v38  }
0xa0: {  	v45 =	vadd.s32 v10, v53;
	v38 =	vld [tilespmem:s13+$0xFFFFFF90];
	[tilespmem:v49+s5+$0x0] =	vst.idx.msk $0xffff, v48  }
0xa1: {  	v49 =	vadd.s32 v14, v35;
	v48 =	vld [tilespmem:s13+$0xFFFFFFD0];
	[tilespmem:v46+s5+$0x0] =	vst.idx.msk $0xffff, v39  }
0xa2: {  	[tilespmem:v42+s5+$0x0] =	vst.idx.msk $0xffff, v40;
	v39 =	vld [tilespmem:s13+$0xE0];
	v40 =	vadd.s32 v31, v41  }
0xa3: {  	v46 =	vadd.s32 v18, v34;
	v42 =	vld [tilespmem:s13+$0x10];
	[tilespmem:v44+s5+$0x0] =	vst.idx.msk $0xffff, v43  }
0xa4: {  	v44 =	vadd.s32 v22, v37;
	[tilespmem:v51+s5+$0x0] =	vst.idx.msk $0xffff, v50;
	v43 =	vld [tilespmem:s13+$0x50]  }
0xa5: {  	[tilespmem:v45+s5+$0x0] =	vst.idx.msk $0xffff, v38;
	v38 =	vld [tilespmem:s13+$0x90];
	v45 =	vadd.s32 v26, v36  }
0xa6: {  	v51 =	vadd.s32 v2, v33;
	v50 =	vld [tilespmem:s13+$0xFFFFFF10];
	[tilespmem:v49+s5+$0x0] =	vst.idx.msk $0xffff, v48  }
0xa7: {  	v49 =	vadd.s32 v7, v47;
	v48 =	vld [tilespmem:s13+$0xFFFFFF60];
	[tilespmem:v40+s5+$0x0] =	vst.idx.msk $0xffff, v39  }
0xa8: {  	[tilespmem:v46+s5+$0x0] =	vst.idx.msk $0xffff, v42;
	v39 =	vld [tilespmem:s13+$0xF0];
	v46 =	vadd.s32 v32, v41  }
0xa9: {  	v56 =	vadd.s32 v11, v53;
	v55 =	vld [tilespmem:s13+$0xFFFFFFA0];
	[tilespmem:v44+s5+$0x0] =	vst.idx.msk $0xffff, v43  }
0xaa: {  	v58 =	vadd.s32 v15, v35;
	v57 =	vld [tilespmem:s13+$0xFFFFFFE0];
	[tilespmem:v45+s5+$0x0] =	vst.idx.msk $0xffff, v38  }
0xab: {  	v60 =	vadd.s32 v19, v34;
	[tilespmem:v51+s5+$0x0] =	vst.idx.msk $0xffff, v50;
	v59 =	vld [tilespmem:s13+$0x20]  }
.Ltmp0:
0xac: {  	s15 =	sadd.s32 $0x1, s14;
	v41 =	vadd.s32 v23, v37;
	v38 =	vmov s14;
	[tilespmem:v49+s5+$0x0] =	vst.idx.msk $0xffff, v48;
	v40 =	vld [tilespmem:s13+$0x60];
	(pc) =	sbr.rel @p1 .LBB2_3-.Ltmp0, $4  }
0xad: {  	s16 =	sadd.s32 $0x3, s14;
	v52 =	vmov s15;
	s15 =	sadd.s32 $0x2, s14;
	v43 =	vadd.s32 v27, v36;
	v50 =	vshrl.u32 v38, $0x3;
	v42 =	vld [tilespmem:s13+$0xA0];
	[tilespmem:v46+s5+$0x0] =	vst.idx.msk $0xffff, v39  }
0xae: {  	v54 =	vmov s15;
	s15 =	sadd.s32 $0x4, s14;
	v44 =	vmov s16;
	s16 =	sadd.s32 $0x5, s14;
	v48 =	vadd.s32 v3, v33;
	v45 =	vld [tilespmem:s13+$0xFFFFFF20];
	[tilespmem:v56+s5+$0x0] =	vst.idx.msk $0xffff, v55  }
0xaf: {  	v38 =	vmov s16;
	v51 =	vadd.s32 v8, v47;
	v46 =	vmov s15;
	s15 =	sadd.s32 $0x6, s14;
	v49 =	vld [tilespmem:s13+$0xFFFFFF70];
	[tilespmem:v58+s5+$0x0] =	vst.idx.msk $0xffff, v57  }
0xb0: {  	v53 =	vadd.s32 v12, v53;
	v47 =	vshll.u32 v50, v1;
	v39 =	vmov s15;
	s15 =	sadd.s32 $0x7, s14;
	s14 =	sadd.s32 $0x8, s14;
	v50 =	vld [tilespmem:s13+$0xFFFFFFB0];
	[tilespmem:v60+s5+$0x0] =	vst.idx.msk $0xffff, v59  }
0xb1: {  	_ =	sdelay $0x2  }
0xb2: {  	v52 =	vshrl.u32 v52, $0x3  }
0xb3: {  	v55 =	vmov s15;
	v56 =	vld [tilespmem:s13+$0xFFFFFFF0];
	v35 =	vadd.s32 v16, v35;
	[tilespmem:v41+s5+$0x0] =	vst.idx.msk $0xffff, v40;
	v57 =	vshrl.u32 v54, $0x3  }
0xb4: {  	v59 =	vld [tilespmem:s13+$0x30];
	v34 =	vadd.s32 v20, v34;
	v60 =	vshrl.u32 v44, $0x3;
	v58 =	vshrl.u32 v55, $0x3;
	[tilespmem:v43+s5+$0x0] =	vst.idx.msk $0xffff, v42  }
0xb5: {  	v37 =	vadd.s32 v24, v37;
	v62 =	vshrl.u32 v46, $0x3;
	v61 =	vld [tilespmem:s13+$0x70];
	v41 =	vshll.u32 v58, v1;
	[tilespmem:v48+s5+$0x0] =	vst.idx.msk $0xffff, v45  }
0xb6: {  	v36 =	vadd.s32 v28, v36;
	v46 =	vbroadcast v47, $0x0;
	v63 =	vld [tilespmem:s13+$0xB0];
	v41 =	vbroadcast v41, $0x0;
	[tilespmem:v51+s5+$0x0] =	vst.idx.msk $0xffff, v49  }
0xb7: {  	v33 =	vadd.s32 v4, v33;
	s19 =	sadd.s32 $0x200, s13;
	v38 =	vshrl.u32 v38, $0x3;
	v55 =	vshll.u32 v52, v1;
	v48 =	vld [tilespmem:s13+$0xFFFFFF30];
	[tilespmem:v53+s5+$0x0] =	vst.idx.msk $0xffff, v50  }
0xb8: {  	v40 =	vshll.u32 v57, v1;
	v47 =	vbroadcast v55, $0x0;
	v49 =	vld [tilespmem:s19+$0xC0];
	v50 =	vadd.s32 v29, v41;
	[tilespmem:v35+s5+$0x0] =	vst.idx.msk $0xffff, v56  }
0xb9: {  	v42 =	vshll.u32 v60, v1;
	v40 =	vbroadcast v40, $0x0;
	v35 =	vld [tilespmem:s19+$0xFFFFFF00];
	v56 =	vadd.s32 v0, v46;
	[tilespmem:v34+s5+$0x0] =	vst.idx.msk $0xffff, v59  }
0xba: {  	v57 =	vld [tilespmem:s19+$0xFFFFFF40];
	v44 =	vshll.u32 v62, v1;
	v42 =	vbroadcast v42, $0x0;
	v58 =	vadd.s32 v5, v47;
	[tilespmem:v37+s5+$0x0] =	vst.idx.msk $0xffff, v61  }
0xbb: {  	v38 =	vshll.u32 v38, v1;
	v44 =	vbroadcast v44, $0x0;
	v60 =	vadd.s32 v9, v40;
	v59 =	vld [tilespmem:s19+$0xFFFFFF80];
	[tilespmem:v36+s5+$0x0] =	vst.idx.msk $0xffff, v63  }
0xbc: {  	v38 =	vbroadcast v38, $0x0;
	v62 =	vadd.s32 v13, v42;
	v61 =	vld [tilespmem:s19+$0xFFFFFFC0];
	[tilespmem:v33+s5+$0x0] =	vst.idx.msk $0xffff, v48  }
0xbd: {  	v39 =	vshrl.u32 v39, $0x3;
	v63 =	vadd.s32 v17, v44;
	v33 =	vld [tilespmem:s19+$0x0];
	[tilespmem:v50+s5+$0x0] =	vst.idx.msk $0xffff, v49  }
0xbe: {  	v39 =	vshll.u32 v39, v1;
	v34 =	vld [tilespmem:s19+$0x40];
	[tilespmem:v56+s5+$0x0] =	vst.idx.msk $0xffff, v35;
	v56 =	vadd.s32 v21, v38  }
0xbf: {  	[tilespmem:v58+s5+$0x0] =	vst.idx.msk $0xffff, v57;
	v35 =	vbroadcast v39, $0x0;
	v49 =	vadd.s32 v30, v41;
	v39 =	vld [tilespmem:s19+$0xD0]  }
0xc0: {  	[tilespmem:v60+s5+$0x0] =	vst.idx.msk $0xffff, v59;
	v59 =	vld [tilespmem:s19+$0xFFFFFF50];
	v60 =	vadd.s32 v6, v47  }
0xc1: {  	v57 =	vld [tilespmem:s19+$0x80];
	[tilespmem:v62+s5+$0x0] =	vst.idx.msk $0xffff, v61;
	v58 =	vadd.s32 v25, v35  }
0xc2: {  	v61 =	vld [tilespmem:s19+$0xFFFFFF90];
	v62 =	vadd.s32 v10, v40;
	[tilespmem:v63+s5+$0x0] =	vst.idx.msk $0xffff, v33  }
0xc3: {  	v33 =	vld [tilespmem:s19+$0xFFFFFFD0];
	v63 =	vadd.s32 v14, v42;
	[tilespmem:v56+s5+$0x0] =	vst.idx.msk $0xffff, v34  }
0xc4: {  	v56 =	vadd.s32 v18, v44;
	[tilespmem:v49+s5+$0x0] =	vst.idx.msk $0xffff, v39;
	v49 =	vld [tilespmem:s19+$0x10]  }
0xc5: {  	[tilespmem:v60+s5+$0x0] =	vst.idx.msk $0xffff, v59;
	v39 =	vadd.s32 v31, v41;
	v34 =	vld [tilespmem:s19+$0xE0]  }
0xc6: {  	[tilespmem:v58+s5+$0x0] =	vst.idx.msk $0xffff, v57;
	v57 =	vld [tilespmem:s19+$0x50];
	v58 =	vadd.s32 v22, v38  }
0xc7: {  	[tilespmem:v62+s5+$0x0] =	vst.idx.msk $0xffff, v61;
	v61 =	vld [tilespmem:s19+$0xFFFFFF10];
	v62 =	vadd.s32 v2, v46  }
0xc8: {  	v60 =	vadd.s32 v26, v35;
	v59 =	vld [tilespmem:s19+$0x90];
	[tilespmem:v63+s5+$0x0] =	vst.idx.msk $0xffff, v33  }
0xc9: {  	v55 =	vadd.s32 v11, v40;
	v54 =	vadd.s32 v32, v41;
	v41 =	vld [tilespmem:s19+$0xFFFFFFA0];
	[tilespmem:v56+s5+$0x0] =	vst.idx.msk $0xffff, v49  }
0xca: {  	v53 =	vadd.s32 v7, v47;
	v63 =	vld [tilespmem:s19+$0xFFFFFF60];
	[tilespmem:v39+s5+$0x0] =	vst.idx.msk $0xffff, v34  }
0xcb: {  	v56 =	vld [tilespmem:s19+$0xFFFFFFE0];
	[tilespmem:v58+s5+$0x0] =	vst.idx.msk $0xffff, v57;
	v57 =	vadd.s32 v15, v42  }
0xcc: {  	[tilespmem:v62+s5+$0x0] =	vst.idx.msk $0xffff, v61;
	v34 =	vld [tilespmem:s19+$0xF0]  }
0xcd: {  	v58 =	vld [tilespmem:s19+$0x20];
	[tilespmem:v60+s5+$0x0] =	vst.idx.msk $0xffff, v59;
	v59 =	vadd.s32 v19, v44  }
0xce: {  	v61 =	vadd.s32 v23, v38;
	[tilespmem:v55+s5+$0x0] =	vst.idx.msk $0xffff, v41;
	v60 =	vld [tilespmem:s19+$0x60]  }
0xcf: {  	[tilespmem:v53+s5+$0x0] =	vst.idx.msk $0xffff, v63;
	v63 =	vadd.s32 v27, v35;
	v62 =	vld [tilespmem:s19+$0xA0]  }
0xd0: {  	v47 =	vadd.s32 v8, v47;
	v55 =	vld [tilespmem:s19+$0xFFFFFF70];
	[tilespmem:v57+s5+$0x0] =	vst.idx.msk $0xffff, v56  }
0xd1: {  	v53 =	vld [tilespmem:s19+$0xFFFFFF20];
	[tilespmem:v54+s5+$0x0] =	vst.idx.msk $0xffff, v34;
	v54 =	vadd.s32 v3, v46  }
0xd2: {  	v40 =	vadd.s32 v12, v40;
	v56 =	vld [tilespmem:s19+$0xFFFFFFB0];
	[tilespmem:v59+s5+$0x0] =	vst.idx.msk $0xffff, v58  }
0xd3: {  	v42 =	vadd.s32 v16, v42;
	v57 =	vld [tilespmem:s19+$0xFFFFFFF0];
	[tilespmem:v61+s5+$0x0] =	vst.idx.msk $0xffff, v60  }
0xd4: {  	v59 =	vadd.s32 v20, v44;
	v58 =	vld [tilespmem:s19+$0x30];
	[tilespmem:v63+s5+$0x0] =	vst.idx.msk $0xffff, v62  }
0xd5: {  	v38 =	vadd.s32 v24, v38;
	v60 =	vld [tilespmem:s19+$0x70];
	[tilespmem:v47+s5+$0x0] =	vst.idx.msk $0xffff, v55  }
0xd6: {  	v35 =	vadd.s32 v28, v35;
	v61 =	vld [tilespmem:s19+$0xB0];
	[tilespmem:v54+s5+$0x0] =	vst.idx.msk $0xffff, v53  }
0xd7: {  	s20 =	sshrl.u32 s11, $0x1;
	v63 =	vadd.s32 v4, v46;
	[tilespmem:v40+s5+$0x0] =	vst.idx.msk $0xffff, v56;
	v62 =	vld [tilespmem:s19+$0xFFFFFF30]  }
0xd8: {  	s16 =	sadd.s32 s23, s12;
	s14 =	sshll.u32 s20, $0x2;
	[tilespmem:v42+s5+$0x0] =	vst.idx.msk $0xffff, v57  }
0xd9: {  	s15 =	ssub.s32 s16, s14;
	[tilespmem:v59+s5+$0x0] =	vst.idx.msk $0xffff, v58  }
0xda: {  	s13 =	sshll.u32 s20, $0x11;
	s15 =	sshll.u32 s15, $0x7;
	[tilespmem:v38+s5+$0x0] =	vst.idx.msk $0xffff, v60  }
0xdb: {  	s13 =	sadd.s32 s2, s13;
	s15 =	sand.u32 $0x1FFFFF00, s15;
	[tilespmem:v35+s5+$0x0] =	vst.idx.msk $0xffff, v61  }
0xdc: {  	s17 =	simm.s32 $0x6800;
	s16 =	sadd.s32 s15, s13;
	[tilespmem:v63+s5+$0x0] =	vst.idx.msk $0xffff, v62  }
0xdd: {  	[hbm4b:s16+s3] =	stream.linear.scatter [tilespmem:s17], [sflag:$0x3], $0x80, $0x38;
	[tilespmem:$0xAC00] =	vst v63  }
0xde: {  	s18 =	simm.s32 $0x6888;
	s17 =	sadd.s32 $0x10, s16  }
0xdf: {  	[hbm4b:s17+s3] =	stream.linear.scatter [tilespmem:s18], [sflag:$0x3], $0x80, $0x38;
	[tilespmem:$0xAC00] =	vst v63  }
0xe0: {  	s20 =	sadd.s32 $0x20, s16;
	s19 =	simm.s32 $0x6910  }
0xe1: {  	[hbm4b:s20+s3] =	stream.linear.scatter [tilespmem:s19], [sflag:$0x3], $0x80, $0x38;
	[tilespmem:$0xAC00] =	vst v63  }
0xe2: {  	s17 =	simm.s32 $0x6998;
	s18 =	sadd.s32 $0x30, s16  }
0xe3: {  	[hbm4b:s18+s3] =	stream.linear.scatter [tilespmem:s17], [sflag:$0x3], $0x80, $0x38;
	[tilespmem:$0xAC00] =	vst v63  }
0xe4: {  	s14 =	ssub.s32 $0x0, s14;
	s19 =	simm.s32 $0x6A20;
	s20 =	sadd.s32 $0x40, s16  }
0xe5: {  	[hbm4b:s20+s3] =	stream.linear.scatter [tilespmem:s19], [sflag:$0x3], $0x80, $0x38;
	[tilespmem:$0xAC00] =	vst v63  }
0xe6: {  	s15 =	simm.s32 $0x440;
	s17 =	simm.s32 $0x6AA8;
	s18 =	sadd.s32 $0x50, s16  }
0xe7: {  	[hbm4b:s18+s3] =	stream.linear.scatter [tilespmem:s17], [sflag:$0x3], $0x80, $0x38;
	[tilespmem:$0xAC00] =	vst v63  }
0xe8: {  	s19 =	simm.s32 $0x6B30;
	s20 =	sadd.s32 $0x60, s16;
	s17 =	simm.s32 $0x2200  }
0xe9: {  	[hbm4b:s20+s3] =	stream.linear.scatter [tilespmem:s19], [sflag:$0x3], $0x80, $0x38;
	[tilespmem:$0xAC00] =	vst v63  }
0xea: {  	s18 =	simm.s32 $0x6BB8;
	s19 =	sadd.s32 $0x70, s16;
	s16 =	sadd.s32 $0x4000, s16  }
.LBB2_5:
0xeb: {  	[hbm4b:s19+s3] =	stream.linear.scatter [tilespmem:s18], [sflag:$0x3], $0x80, $0x38;
	[tilespmem:$0xAC00] =	vst v63  }
0xec: {  	s18 =	smov.u32 s15;
	s15 =	smov.u32 s17  }
0xed: {  	s20 =	sadd.s32 $0x1100, s17;
	s15 =	sshra.s32 s15, $0x2;
	s19 =	sadd.s32 $0x6800, s18  }
0xee: {  	[hbm4b:s16+s3] =	stream.linear.scatter [tilespmem:s19], [sflag:$0x3], $0x80, $0x38;
	[tilespmem:$0xAC00] =	vst v63  }
0xef: {  	p1 =	sne.s32 s17, $0x7700;
	s17 =	sadd.s32 $0x6888, s18;
	s19 =	sadd.s32 $0x10, s16  }
0xf0: {  	[hbm4b:s19+s3] =	stream.linear.scatter [tilespmem:s17], [sflag:$0x3], $0x80, $0x38;
	[tilespmem:$0xAC00] =	vst v63  }
0xf1: {  	s17 =	sadd.s32 $0x6910, s18;
	s19 =	sadd.s32 $0x20, s16  }
0xf2: {  	[hbm4b:s19+s3] =	stream.linear.scatter [tilespmem:s17], [sflag:$0x3], $0x80, $0x38;
	[tilespmem:$0xAC00] =	vst v63  }
0xf3: {  	s17 =	sadd.s32 $0x6998, s18;
	s19 =	sadd.s32 $0x30, s16  }
0xf4: {  	[hbm4b:s19+s3] =	stream.linear.scatter [tilespmem:s17], [sflag:$0x3], $0x80, $0x38;
	[tilespmem:$0xAC00] =	vst v63  }
0xf5: {  	s17 =	sadd.s32 $0x6A20, s18;
	s19 =	sadd.s32 $0x40, s16  }
0xf6: {  	[hbm4b:s19+s3] =	stream.linear.scatter [tilespmem:s17], [sflag:$0x3], $0x80, $0x38;
	[tilespmem:$0xAC00] =	vst v63  }
.Ltmp1:
0xf7: {  	s17 =	sadd.s32 $0x6AA8, s18;
	s19 =	sadd.s32 $0x50, s16;
	(pc) =	sbr.rel @p1 .LBB2_5-.Ltmp1, $4  }
0xf8: {  	[hbm4b:s19+s3] =	stream.linear.scatter [tilespmem:s17], [sflag:$0x3], $0x80, $0x38;
	[tilespmem:$0xAC00] =	vst v63  }
0xf9: {  	s17 =	sadd.s32 $0x6B30, s18;
	s19 =	sadd.s32 $0x60, s16;
	s18 =	sadd.s32 $0x6BB8, s18  }
0xfa: {  	[hbm4b:s19+s3] =	stream.linear.scatter [tilespmem:s17], [sflag:$0x3], $0x80, $0x38;
	[tilespmem:$0xAC00] =	vst v63  }
0xfb: {  	s19 =	sadd.s32 $0x70, s16;
	s16 =	sadd.s32 $0x4000, s16;
	s17 =	smov.u32 s20  }
0xfc: {  	[hbm4b:s19+s3] =	stream.linear.scatter [tilespmem:s18], [sflag:$0x3], $0x80, $0x38;
	[tilespmem:$0xAC00] =	vst v63  }
0xfd: {  	s17 =	sadd.s32 $0x6800, s15  }
0xfe: {  	[hbm4b:s16+s3] =	stream.linear.scatter [tilespmem:s17], [sflag:$0x3], $0x80, $0x38;
	[tilespmem:$0xAC00] =	vst v63  }
0xff: {  	s19 =	sadd.s32 $0x6888, s15;
	s20 =	sadd.s32 $0x10, s16  }
0x100: {  	[hbm4b:s20+s3] =	stream.linear.scatter [tilespmem:s19], [sflag:$0x3], $0x80, $0x38;
	[tilespmem:$0xAC00] =	vst v63  }
0x101: {  	s19 =	sadd.s32 $0x6910, s15;
	s20 =	sadd.s32 $0x20, s16  }
0x102: {  	[hbm4b:s20+s3] =	stream.linear.scatter [tilespmem:s19], [sflag:$0x3], $0x80, $0x38;
	[tilespmem:$0xAC00] =	vst v63  }
0x103: {  	s19 =	sadd.s32 $0x6998, s15;
	s20 =	sadd.s32 $0x30, s16  }
0x104: {  	[hbm4b:s20+s3] =	stream.linear.scatter [tilespmem:s19], [sflag:$0x3], $0x80, $0x38;
	[tilespmem:$0xAC00] =	vst v63  }
0x105: {  	s19 =	sadd.s32 $0x6A20, s15;
	s20 =	sadd.s32 $0x40, s16  }
0x106: {  	[hbm4b:s20+s3] =	stream.linear.scatter [tilespmem:s19], [sflag:$0x3], $0x80, $0x38;
	[tilespmem:$0xAC00] =	vst v63  }
0x107: {  	s19 =	sadd.s32 $0x6AA8, s15;
	s20 =	sadd.s32 $0x50, s16  }
0x108: {  	[hbm4b:s20+s3] =	stream.linear.scatter [tilespmem:s19], [sflag:$0x3], $0x80, $0x38;
	[tilespmem:$0xAC00] =	vst v63  }
0x109: {  	s19 =	sadd.s32 $0x6B30, s15;
	s20 =	sadd.s32 $0x60, s16  }
0x10a: {  	[hbm4b:s20+s3] =	stream.linear.scatter [tilespmem:s19], [sflag:$0x3], $0x80, $0x38;
	[tilespmem:$0xAC00] =	vst v63  }
0x10b: {  	s20 =	sadd.s32 $0x70, s16;
	s16 =	smin.u32 s12, $0x4D  }
0x10c: {  	s18 =	simm.s32 $0x1;
	s19 =	sadd.s32 $0x6BB8, s15;
	s15 =	sshll.u32 s16, $0x7  }
0x10d: {  	[hbm4b:s20+s3] =	stream.linear.scatter [tilespmem:s19], [sflag:$0x3], $0x80, $0x38;
	[tilespmem:$0xAC00] =	vst v63  }
0x10e: {  	v34 =	vmov s18;
	s18 =	simm.s32 $0x7;
	s17 =	simm.s32 $0x0;
	s15 =	sadd.s32 $0x100, s15  }
0x10f: {  	v38 =	vmov s18;
	v34 =	vshrl.u32 v34, $0x3;
	[tilespmem:s30], [sflag:$0x1] =	stream.indirect.gather [hbm4b:s4+s1], $0x40, s15, s1, $0xb8;
	[tilespmem:$0xAC00] =	vst v63  }
0x110: {  	v33 =	vmov s17;
	v38 =	vshrl.u32 v38, $0x3;
	v34 =	vshll.u32 v34, v1;
	_ =	swait.ge [sflag:s6], $0x2000  }
0x111: {  	s17 =	simm.s32 $0x4;
	v33 =	vshrl.u32 v33, $0x3;
	v38 =	vshll.u32 v38, v1;
	v45 =	vbroadcast v34, $0x0;
	[sflag:s6] =	ssyncset.done $0x0  }
0x112: {  	v37 =	vmov s17;
	v33 =	vshll.u32 v33, v1;
	v38 =	vbroadcast v38, $0x0;
	s16 =	simm.s32 @!p0 $0x4;
	[sflag:s6] =	ssyncadd.s32 $0xFFFFE000  }
0x113: {  	v37 =	vshrl.u32 v37, $0x3;
	v33 =	vbroadcast v33, $0x0;
	v47 =	vadd.s32 v5, v45;
	s19 =	simm.s32 $0x2;
	_ =	swait.ge @!p0 [sflag:s16], $0x2000  }
0x114: {  	v54 =	vshll.u32 v37, v1;
	v42 =	vadd.s32 v29, v38;
	s20 =	simm.s32 $0x3;
	v35 =	vmov s19;
	[sflag:s16] =	ssyncset.done @!p0 $0x0  }
0x115: {  	v34 =	vbroadcast v54, $0x0;
	v36 =	vmov s20;
	v35 =	vshrl.u32 v35, $0x3;
	s15 =	simm.s32 $0x4900;
	[sflag:s16] =	ssyncadd.s32 @!p0 $0xFFFFE000  }
0x116: {  	v44 =	vadd.s32 v0, v33;
	s19 =	simm.s32 $0x5;
	v36 =	vshrl.u32 v36, $0x3;
	v52 =	vshll.u32 v35, v1;
	v41 =	vld [tilespmem:s15+$0xC0]  }
0x117: {  	s20 =	simm.s32 $0x6;
	v39 =	vmov s19;
	v53 =	vshll.u32 v36, v1;
	v52 =	vbroadcast v52, $0x0;
	v43 =	vld [tilespmem:s15+$0xFFFFFF00]  }
0x118: {  	v40 =	vmov s20;
	v55 =	vshrl.u32 v39, $0x3;
	v35 =	vbroadcast v53, $0x0;
	v46 =	vld [tilespmem:s15+$0xFFFFFF40]  }
0x119: {  	v40 =	vshrl.u32 v40, $0x3;
	v36 =	vshll.u32 v55, v1;
	v49 =	vadd.s32 v9, v52;
	v48 =	vld [tilespmem:s15+$0xFFFFFF80]  }
0x11a: {  	v56 =	vshll.u32 v40, v1;
	v37 =	vbroadcast v36, $0x0;
	v50 =	vadd.s32 v13, v35;
	v39 =	vld [tilespmem:s15+$0xFFFFFFC0]  }
0x11b: {  	v53 =	vadd.s32 v17, v34;
	v36 =	vbroadcast v56, $0x0;
	v51 =	vld [tilespmem:s15+$0x0];
	[tilespmem:v42+s7+$0x0] =	vst.idx.msk $0xffff, v41  }
0x11c: {  	v60 =	vadd.s32 v21, v37;
	v59 =	vld [tilespmem:s15+$0x40];
	[tilespmem:v44+s7+$0x0] =	vst.idx.msk $0xffff, v43  }
0x11d: {  	v62 =	vadd.s32 v25, v36;
	v61 =	vld [tilespmem:s15+$0x80];
	[tilespmem:v47+s7+$0x0] =	vst.idx.msk $0xffff, v46  }
0x11e: {  	v58 =	vadd.s32 v30, v38;
	[tilespmem:v49+s7+$0x0] =	vst.idx.msk $0xffff, v48;
	v57 =	vld [tilespmem:s15+$0xD0]  }
0x11f: {  	v63 =	vadd.s32 v6, v45;
	[tilespmem:v50+s7+$0x0] =	vst.idx.msk $0xffff, v39;
	v47 =	vld [tilespmem:s15+$0xFFFFFF50]  }
0x120: {  	v55 =	vadd.s32 v10, v52;
	[tilespmem:v53+s7+$0x0] =	vst.idx.msk $0xffff, v51;
	v54 =	vld [tilespmem:s15+$0xFFFFFF90]  }
0x121: {  	v56 =	vadd.s32 v14, v35;
	[tilespmem:v60+s7+$0x0] =	vst.idx.msk $0xffff, v59;
	v50 =	vld [tilespmem:s15+$0xFFFFFFD0]  }
0x122: {  	[tilespmem:v62+s7+$0x0] =	vst.idx.msk $0xffff, v61;
	v46 =	vadd.s32 v22, v37;
	v44 =	vld [tilespmem:s15+$0x50]  }
0x123: {  	v59 =	vadd.s32 v18, v34;
	[tilespmem:v58+s7+$0x0] =	vst.idx.msk $0xffff, v57;
	v58 =	vld [tilespmem:s15+$0x10]  }
0x124: {  	v57 =	vadd.s32 v31, v38;
	[tilespmem:v63+s7+$0x0] =	vst.idx.msk $0xffff, v47;
	v40 =	vld [tilespmem:s15+$0xE0]  }
0x125: {  	v62 =	vadd.s32 v2, v33;
	v61 =	vld [tilespmem:s15+$0xFFFFFF10];
	[tilespmem:v55+s7+$0x0] =	vst.idx.msk $0xffff, v54  }
0x126: {  	v60 =	vadd.s32 v26, v36;
	v63 =	vld [tilespmem:s15+$0x90];
	[tilespmem:v56+s7+$0x0] =	vst.idx.msk $0xffff, v50  }
0x127: {  	v51 =	vadd.s32 v7, v45;
	[tilespmem:v46+s7+$0x0] =	vst.idx.msk $0xffff, v44;
	v50 =	vld [tilespmem:s15+$0xFFFFFF60]  }
0x128: {  	v56 =	vadd.s32 v11, v52;
	v55 =	vld [tilespmem:s15+$0xFFFFFFA0];
	[tilespmem:v59+s7+$0x0] =	vst.idx.msk $0xffff, v58  }
0x129: {  	v58 =	vadd.s32 v15, v35;
	[tilespmem:v57+s7+$0x0] =	vst.idx.msk $0xffff, v40;
	v57 =	vld [tilespmem:s15+$0xFFFFFFE0]  }
0x12a: {  	v38 =	vadd.s32 v32, v38;
	[tilespmem:v62+s7+$0x0] =	vst.idx.msk $0xffff, v61;
	v54 =	vld [tilespmem:s15+$0xF0]  }
0x12b: {  	s18 =	simm.s32 $0x9;
	[tilespmem:v60+s7+$0x0] =	vst.idx.msk $0xffff, v63;
	v60 =	vadd.s32 v19, v34;
	v59 =	vld [tilespmem:s15+$0x20]  }
0x12c: {  	s20 =	simm.s32 $0xB;
	v41 =	vadd.s32 v23, v37;
	v53 =	vmov s18;
	[tilespmem:v51+s7+$0x0] =	vst.idx.msk $0xffff, v50;
	v40 =	vld [tilespmem:s15+$0x60]  }
0x12d: {  	s17 =	simm.s32 $0x8;
	v43 =	vadd.s32 v27, v36;
	s18 =	simm.s32 $0xC;
	v48 =	vadd.s32 v3, v33;
	v44 =	vmov s20;
	v42 =	vld [tilespmem:s15+$0xA0];
	[tilespmem:v56+s7+$0x0] =	vst.idx.msk $0xffff, v55  }
0x12e: {  	s19 =	simm.s32 $0xA;
	v47 =	vmov s18;
	v52 =	vadd.s32 v12, v52;
	v46 =	vld [tilespmem:s15+$0xFFFFFF20];
	v63 =	vmov s17;
	[tilespmem:v58+s7+$0x0] =	vst.idx.msk $0xffff, v57  }
0x12f: {  	s20 =	simm.s32 $0xE;
	v39 =	vshrl.u32 v63, $0x3;
	v51 =	vadd.s32 v8, v45;
	v49 =	vld [tilespmem:s15+$0xFFFFFF70];
	[tilespmem:v38+s7+$0x0] =	vst.idx.msk $0xffff, v54;
	v54 =	vmov s19;
	s19 =	simm.s32 $0xD  }
0x130: {  	s16 =	simm.s32 $0x10;
	s17 =	simm.s32 $0xF;
	v45 =	vshll.u32 v39, v1;
	v39 =	vmov s20;
	v50 =	vld [tilespmem:s15+$0xFFFFFFB0];
	[tilespmem:v60+s7+$0x0] =	vst.idx.msk $0xffff, v59;
	v38 =	vmov s19  }
.LBB2_7:
0x131: {  	p0 =	slt.u32 s16, $0x78;
	v53 =	vshrl.u32 v53, $0x3;
	v55 =	vmov s17;
	v56 =	vld [tilespmem:s15+$0xFFFFFFF0];
	v35 =	vadd.s32 v16, v35;
	[tilespmem:v41+s7+$0x0] =	vst.idx.msk $0xffff, v40  }
0x132: {  	v40 =	vshrl.u32 v54, $0x3;
	v34 =	vadd.s32 v20, v34;
	v41 =	vshrl.u32 v55, $0x3;
	v54 =	vld [tilespmem:s15+$0x30];
	[tilespmem:v43+s7+$0x0] =	vst.idx.msk $0xffff, v42  }
0x133: {  	v37 =	vadd.s32 v24, v37;
	v42 =	vshrl.u32 v44, $0x3;
	v41 =	vshll.u32 v41, v1;
	[tilespmem:v48+s7+$0x0] =	vst.idx.msk $0xffff, v46;
	v43 =	vld [tilespmem:s15+$0x70]  }
0x134: {  	v36 =	vadd.s32 v28, v36;
	v44 =	vshrl.u32 v47, $0x3;
	v41 =	vbroadcast v41, $0x0;
	[tilespmem:v51+s7+$0x0] =	vst.idx.msk $0xffff, v49;
	v46 =	vld [tilespmem:s15+$0xB0]  }
0x135: {  	v47 =	vshll.u32 v53, v1;
	v49 =	vadd.s32 v4, v33;
	v33 =	vbroadcast v45, $0x0;
	v48 =	vld [tilespmem:s15+$0xFFFFFF30];
	[tilespmem:v52+s7+$0x0] =	vst.idx.msk $0xffff, v50;
	s15 =	sadd.s32 $0x200, s15  }
0x136: {  	v40 =	vshll.u32 v40, v1;
	v45 =	vbroadcast v47, $0x0;
	v47 =	vld [tilespmem:s15+$0xC0];
	v50 =	vadd.s32 v29, v41;
	[tilespmem:v35+s7+$0x0] =	vst.idx.msk $0xffff, v56  }
0x137: {  	v55 =	vbroadcast v40, $0x0;
	v52 =	vadd.s32 v0, v33;
	v35 =	vshll.u32 v42, v1;
	v51 =	vld [tilespmem:s15+$0xFFFFFF00];
	[tilespmem:v34+s7+$0x0] =	vst.idx.msk $0xffff, v54  }
0x138: {  	v42 =	vadd.s32 v5, v45;
	v35 =	vbroadcast v35, $0x0;
	v34 =	vshll.u32 v44, v1;
	v40 =	vld [tilespmem:s15+$0xFFFFFF40];
	[tilespmem:v37+s7+$0x0] =	vst.idx.msk $0xffff, v43  }
0x139: {  	v44 =	vadd.s32 v9, v55;
	v34 =	vbroadcast v34, $0x0;
	v37 =	vshrl.u32 v38, $0x3;
	v43 =	vld [tilespmem:s15+$0xFFFFFF80];
	[tilespmem:v36+s7+$0x0] =	vst.idx.msk $0xffff, v46  }
0x13a: {  	v39 =	vshrl.u32 v39, $0x3;
	v46 =	vadd.s32 v13, v35;
	v36 =	vshll.u32 v37, v1;
	v38 =	vld [tilespmem:s15+$0xFFFFFFC0];
	[tilespmem:v49+s7+$0x0] =	vst.idx.msk $0xffff, v48  }
0x13b: {  	v49 =	vadd.s32 v17, v34;
	v37 =	vbroadcast v36, $0x0;
	v36 =	vshll.u32 v39, v1;
	v48 =	vld [tilespmem:s15+$0x0];
	[tilespmem:v50+s7+$0x0] =	vst.idx.msk $0xffff, v47  }
0x13c: {  	v36 =	vbroadcast v36, $0x0;
	v47 =	vadd.s32 v30, v41;
	[tilespmem:v52+s7+$0x0] =	vst.idx.msk $0xffff, v51;
	v39 =	vld [tilespmem:s15+$0xD0]  }
0x13d: {  	[tilespmem:v42+s7+$0x0] =	vst.idx.msk $0xffff, v40;
	v40 =	vld [tilespmem:s15+$0x40];
	v42 =	vadd.s32 v21, v37  }
0x13e: {  	[tilespmem:v44+s7+$0x0] =	vst.idx.msk $0xffff, v43;
	v43 =	vld [tilespmem:s15+$0x80];
	v44 =	vadd.s32 v25, v36  }
0x13f: {  	v51 =	vadd.s32 v6, v45;
	v50 =	vld [tilespmem:s15+$0xFFFFFF50];
	[tilespmem:v46+s7+$0x0] =	vst.idx.msk $0xffff, v38  }
0x140: {  	v46 =	vadd.s32 v10, v55;
	v38 =	vld [tilespmem:s15+$0xFFFFFF90];
	[tilespmem:v49+s7+$0x0] =	vst.idx.msk $0xffff, v48  }
0x141: {  	v49 =	vadd.s32 v14, v35;
	v48 =	vld [tilespmem:s15+$0xFFFFFFD0];
	[tilespmem:v47+s7+$0x0] =	vst.idx.msk $0xffff, v39  }
0x142: {  	[tilespmem:v42+s7+$0x0] =	vst.idx.msk $0xffff, v40;
	v39 =	vld [tilespmem:s15+$0xE0];
	v40 =	vadd.s32 v31, v41  }
0x143: {  	v47 =	vadd.s32 v18, v34;
	v42 =	vld [tilespmem:s15+$0x10];
	[tilespmem:v44+s7+$0x0] =	vst.idx.msk $0xffff, v43  }
0x144: {  	v44 =	vadd.s32 v22, v37;
	[tilespmem:v51+s7+$0x0] =	vst.idx.msk $0xffff, v50;
	v43 =	vld [tilespmem:s15+$0x50]  }
0x145: {  	[tilespmem:v46+s7+$0x0] =	vst.idx.msk $0xffff, v38;
	v38 =	vld [tilespmem:s15+$0x90];
	v46 =	vadd.s32 v26, v36  }
0x146: {  	v51 =	vadd.s32 v2, v33;
	v50 =	vld [tilespmem:s15+$0xFFFFFF10];
	[tilespmem:v49+s7+$0x0] =	vst.idx.msk $0xffff, v48  }
0x147: {  	v49 =	vadd.s32 v7, v45;
	v48 =	vld [tilespmem:s15+$0xFFFFFF60];
	[tilespmem:v40+s7+$0x0] =	vst.idx.msk $0xffff, v39  }
0x148: {  	[tilespmem:v47+s7+$0x0] =	vst.idx.msk $0xffff, v42;
	v39 =	vld [tilespmem:s15+$0xF0];
	v47 =	vadd.s32 v32, v41  }
0x149: {  	v56 =	vadd.s32 v11, v55;
	v52 =	vld [tilespmem:s15+$0xFFFFFFA0];
	[tilespmem:v44+s7+$0x0] =	vst.idx.msk $0xffff, v43  }
0x14a: {  	v58 =	vadd.s32 v15, v35;
	v57 =	vld [tilespmem:s15+$0xFFFFFFE0];
	[tilespmem:v46+s7+$0x0] =	vst.idx.msk $0xffff, v38  }
0x14b: {  	v60 =	vadd.s32 v19, v34;
	[tilespmem:v51+s7+$0x0] =	vst.idx.msk $0xffff, v50;
	v59 =	vld [tilespmem:s15+$0x20]  }
.Ltmp2:
0x14c: {  	s17 =	sadd.s32 $0x1, s16;
	v41 =	vadd.s32 v23, v37;
	v38 =	vmov s16;
	[tilespmem:v49+s7+$0x0] =	vst.idx.msk $0xffff, v48;
	v40 =	vld [tilespmem:s15+$0x60];
	(pc) =	sbr.rel @p0 .LBB2_7-.Ltmp2, $4  }
0x14d: {  	s18 =	sadd.s32 $0x3, s16;
	v53 =	vmov s17;
	s17 =	sadd.s32 $0x2, s16;
	v43 =	vadd.s32 v27, v36;
	v50 =	vshrl.u32 v38, $0x3;
	v42 =	vld [tilespmem:s15+$0xA0];
	[tilespmem:v47+s7+$0x0] =	vst.idx.msk $0xffff, v39  }
0x14e: {  	v54 =	vmov s17;
	s17 =	sadd.s32 $0x4, s16;
	v44 =	vmov s18;
	s18 =	sadd.s32 $0x5, s16;
	v48 =	vadd.s32 v3, v33;
	v46 =	vld [tilespmem:s15+$0xFFFFFF20];
	[tilespmem:v56+s7+$0x0] =	vst.idx.msk $0xffff, v52  }
0x14f: {  	v38 =	vmov s18;
	v51 =	vadd.s32 v8, v45;
	v47 =	vmov s17;
	s17 =	sadd.s32 $0x6, s16;
	v49 =	vld [tilespmem:s15+$0xFFFFFF70];
	[tilespmem:v58+s7+$0x0] =	vst.idx.msk $0xffff, v57  }
0x150: {  	v45 =	vshll.u32 v50, v1;
	v39 =	vmov s17;
	s17 =	sadd.s32 $0x7, s16;
	s16 =	sadd.s32 $0x8, s16;
	v52 =	vadd.s32 v12, v55;
	v50 =	vld [tilespmem:s15+$0xFFFFFFB0];
	[tilespmem:v60+s7+$0x0] =	vst.idx.msk $0xffff, v59  }
0x151: {  	_ =	sdelay $0x2  }
0x152: {  	v53 =	vshrl.u32 v53, $0x3  }
0x153: {  	v55 =	vmov s17;
	v56 =	vld [tilespmem:s15+$0xFFFFFFF0];
	v35 =	vadd.s32 v16, v35;
	[tilespmem:v41+s7+$0x0] =	vst.idx.msk $0xffff, v40;
	v57 =	vshrl.u32 v54, $0x3  }
0x154: {  	v59 =	vld [tilespmem:s15+$0x30];
	v34 =	vadd.s32 v20, v34;
	v60 =	vshrl.u32 v44, $0x3;
	v58 =	vshrl.u32 v55, $0x3;
	[tilespmem:v43+s7+$0x0] =	vst.idx.msk $0xffff, v42  }
0x155: {  	v37 =	vadd.s32 v24, v37;
	v62 =	vshrl.u32 v47, $0x3;
	v61 =	vld [tilespmem:s15+$0x70];
	v41 =	vshll.u32 v58, v1;
	[tilespmem:v48+s7+$0x0] =	vst.idx.msk $0xffff, v46  }
0x156: {  	v36 =	vadd.s32 v28, v36;
	v45 =	vbroadcast v45, $0x0;
	v63 =	vld [tilespmem:s15+$0xB0];
	v41 =	vbroadcast v41, $0x0;
	[tilespmem:v51+s7+$0x0] =	vst.idx.msk $0xffff, v49  }
0x157: {  	v33 =	vadd.s32 v4, v33;
	s18 =	sadd.s32 $0x200, s15;
	v38 =	vshrl.u32 v38, $0x3;
	v55 =	vshll.u32 v53, v1;
	v48 =	vld [tilespmem:s15+$0xFFFFFF30];
	[tilespmem:v52+s7+$0x0] =	vst.idx.msk $0xffff, v50  }
0x158: {  	v40 =	vshll.u32 v57, v1;
	v47 =	vbroadcast v55, $0x0;
	v49 =	vld [tilespmem:s18+$0xC0];
	v50 =	vadd.s32 v29, v41;
	[tilespmem:v35+s7+$0x0] =	vst.idx.msk $0xffff, v56  }
0x159: {  	v42 =	vshll.u32 v60, v1;
	v40 =	vbroadcast v40, $0x0;
	v35 =	vld [tilespmem:s18+$0xFFFFFF00];
	v56 =	vadd.s32 v0, v45;
	[tilespmem:v34+s7+$0x0] =	vst.idx.msk $0xffff, v59  }
0x15a: {  	v57 =	vld [tilespmem:s18+$0xFFFFFF40];
	v44 =	vshll.u32 v62, v1;
	v42 =	vbroadcast v42, $0x0;
	v58 =	vadd.s32 v5, v47;
	[tilespmem:v37+s7+$0x0] =	vst.idx.msk $0xffff, v61  }
0x15b: {  	v38 =	vshll.u32 v38, v1;
	v44 =	vbroadcast v44, $0x0;
	v60 =	vadd.s32 v9, v40;
	v59 =	vld [tilespmem:s18+$0xFFFFFF80];
	[tilespmem:v36+s7+$0x0] =	vst.idx.msk $0xffff, v63  }
0x15c: {  	v38 =	vbroadcast v38, $0x0;
	v62 =	vadd.s32 v13, v42;
	v61 =	vld [tilespmem:s18+$0xFFFFFFC0];
	[tilespmem:v33+s7+$0x0] =	vst.idx.msk $0xffff, v48  }
0x15d: {  	v39 =	vshrl.u32 v39, $0x3;
	v63 =	vadd.s32 v17, v44;
	v33 =	vld [tilespmem:s18+$0x0];
	[tilespmem:v50+s7+$0x0] =	vst.idx.msk $0xffff, v49  }
0x15e: {  	v39 =	vshll.u32 v39, v1;
	v34 =	vld [tilespmem:s18+$0x40];
	[tilespmem:v56+s7+$0x0] =	vst.idx.msk $0xffff, v35;
	v56 =	vadd.s32 v21, v38  }
0x15f: {  	[tilespmem:v58+s7+$0x0] =	vst.idx.msk $0xffff, v57;
	v35 =	vbroadcast v39, $0x0;
	v49 =	vadd.s32 v30, v41;
	v39 =	vld [tilespmem:s18+$0xD0]  }
0x160: {  	[tilespmem:v60+s7+$0x0] =	vst.idx.msk $0xffff, v59;
	v59 =	vld [tilespmem:s18+$0xFFFFFF50];
	v60 =	vadd.s32 v6, v47  }
0x161: {  	v57 =	vld [tilespmem:s18+$0x80];
	[tilespmem:v62+s7+$0x0] =	vst.idx.msk $0xffff, v61;
	v58 =	vadd.s32 v25, v35  }
0x162: {  	v61 =	vld [tilespmem:s18+$0xFFFFFF90];
	v62 =	vadd.s32 v10, v40;
	[tilespmem:v63+s7+$0x0] =	vst.idx.msk $0xffff, v33  }
0x163: {  	v33 =	vld [tilespmem:s18+$0xFFFFFFD0];
	v63 =	vadd.s32 v14, v42;
	[tilespmem:v56+s7+$0x0] =	vst.idx.msk $0xffff, v34  }
0x164: {  	v56 =	vadd.s32 v18, v44;
	[tilespmem:v49+s7+$0x0] =	vst.idx.msk $0xffff, v39;
	v49 =	vld [tilespmem:s18+$0x10]  }
0x165: {  	[tilespmem:v60+s7+$0x0] =	vst.idx.msk $0xffff, v59;
	v39 =	vadd.s32 v31, v41;
	v34 =	vld [tilespmem:s18+$0xE0]  }
0x166: {  	[tilespmem:v58+s7+$0x0] =	vst.idx.msk $0xffff, v57;
	v57 =	vld [tilespmem:s18+$0x50];
	v58 =	vadd.s32 v22, v38  }
0x167: {  	[tilespmem:v62+s7+$0x0] =	vst.idx.msk $0xffff, v61;
	v61 =	vld [tilespmem:s18+$0xFFFFFF10];
	v62 =	vadd.s32 v2, v45  }
0x168: {  	v60 =	vadd.s32 v26, v35;
	v59 =	vld [tilespmem:s18+$0x90];
	[tilespmem:v63+s7+$0x0] =	vst.idx.msk $0xffff, v33  }
0x169: {  	v55 =	vadd.s32 v11, v40;
	v54 =	vadd.s32 v32, v41;
	v41 =	vld [tilespmem:s18+$0xFFFFFFA0];
	[tilespmem:v56+s7+$0x0] =	vst.idx.msk $0xffff, v49  }
0x16a: {  	v53 =	vadd.s32 v7, v47;
	v63 =	vld [tilespmem:s18+$0xFFFFFF60];
	[tilespmem:v39+s7+$0x0] =	vst.idx.msk $0xffff, v34  }
0x16b: {  	v56 =	vld [tilespmem:s18+$0xFFFFFFE0];
	[tilespmem:v58+s7+$0x0] =	vst.idx.msk $0xffff, v57;
	v57 =	vadd.s32 v15, v42  }
0x16c: {  	[tilespmem:v62+s7+$0x0] =	vst.idx.msk $0xffff, v61;
	v34 =	vld [tilespmem:s18+$0xF0]  }
0x16d: {  	v58 =	vld [tilespmem:s18+$0x20];
	[tilespmem:v60+s7+$0x0] =	vst.idx.msk $0xffff, v59;
	v59 =	vadd.s32 v19, v44  }
0x16e: {  	v61 =	vadd.s32 v23, v38;
	[tilespmem:v55+s7+$0x0] =	vst.idx.msk $0xffff, v41;
	v60 =	vld [tilespmem:s18+$0x60]  }
0x16f: {  	[tilespmem:v53+s7+$0x0] =	vst.idx.msk $0xffff, v63;
	v63 =	vadd.s32 v27, v35;
	v62 =	vld [tilespmem:s18+$0xA0]  }
0x170: {  	v47 =	vadd.s32 v8, v47;
	v55 =	vld [tilespmem:s18+$0xFFFFFF70];
	[tilespmem:v57+s7+$0x0] =	vst.idx.msk $0xffff, v56  }
0x171: {  	v53 =	vld [tilespmem:s18+$0xFFFFFF20];
	[tilespmem:v54+s7+$0x0] =	vst.idx.msk $0xffff, v34;
	v54 =	vadd.s32 v3, v45  }
0x172: {  	v40 =	vadd.s32 v12, v40;
	v56 =	vld [tilespmem:s18+$0xFFFFFFB0];
	[tilespmem:v59+s7+$0x0] =	vst.idx.msk $0xffff, v58  }
0x173: {  	v42 =	vadd.s32 v16, v42;
	v57 =	vld [tilespmem:s18+$0xFFFFFFF0];
	[tilespmem:v61+s7+$0x0] =	vst.idx.msk $0xffff, v60  }
0x174: {  	v59 =	vadd.s32 v20, v44;
	v58 =	vld [tilespmem:s18+$0x30];
	[tilespmem:v63+s7+$0x0] =	vst.idx.msk $0xffff, v62  }
0x175: {  	v38 =	vadd.s32 v24, v38;
	v60 =	vld [tilespmem:s18+$0x70];
	[tilespmem:v47+s7+$0x0] =	vst.idx.msk $0xffff, v55  }
0x176: {  	v35 =	vadd.s32 v28, v35;
	v61 =	vld [tilespmem:s18+$0xB0];
	[tilespmem:v54+s7+$0x0] =	vst.idx.msk $0xffff, v53  }
0x177: {  	v63 =	vadd.s32 v4, v45;
	[tilespmem:v40+s7+$0x0] =	vst.idx.msk $0xffff, v56;
	v62 =	vld [tilespmem:s18+$0xFFFFFF30]  }
0x178: {  	s19 =	sadd.s32 s12, s28;
	[tilespmem:v42+s7+$0x0] =	vst.idx.msk $0xffff, v57  }
0x179: {  	s14 =	sadd.s32 s14, s19;
	[tilespmem:v59+s7+$0x0] =	vst.idx.msk $0xffff, v58  }
0x17a: {  	s14 =	sshll.u32 s14, $0x7;
	[tilespmem:v38+s7+$0x0] =	vst.idx.msk $0xffff, v60  }
0x17b: {  	s14 =	sand.u32 $0x1FFFFF80, s14;
	[tilespmem:v35+s7+$0x0] =	vst.idx.msk $0xffff, v61  }
0x17c: {  	s20 =	simm.s32 $0x8A00;
	s14 =	sadd.s32 s14, s13;
	[tilespmem:v63+s7+$0x0] =	vst.idx.msk $0xffff, v62  }
0x17d: {  	[hbm4b:s14+s3] =	stream.linear.scatter [tilespmem:s20], [sflag:$0x4], $0x80, $0x38;
	[tilespmem:$0xAC00] =	vst v63  }
0x17e: {  	s15 =	simm.s32 $0x8A88;
	s16 =	sadd.s32 $0x10, s14  }
0x17f: {  	[hbm4b:s16+s3] =	stream.linear.scatter [tilespmem:s15], [sflag:$0x4], $0x80, $0x38;
	[tilespmem:$0xAC00] =	vst v63  }
0x180: {  	s17 =	simm.s32 $0x8B10;
	s19 =	simm.s32 $0x8B98;
	s18 =	sadd.s32 $0x20, s14  }
0x181: {  	[hbm4b:s18+s3] =	stream.linear.scatter [tilespmem:s17], [sflag:$0x4], $0x80, $0x38;
	[tilespmem:$0xAC00] =	vst v63  }
0x182: {  	s13 =	simm.s32 $0x440;
	s20 =	sadd.s32 $0x30, s14;
	s15 =	simm.s32 $0x8C20  }
0x183: {  	[hbm4b:s20+s3] =	stream.linear.scatter [tilespmem:s19], [sflag:$0x4], $0x80, $0x38;
	[tilespmem:$0xAC00] =	vst v63  }
0x184: {  	s16 =	sadd.s32 $0x40, s14;
	s17 =	simm.s32 $0x8CA8;
	s18 =	sadd.s32 $0x50, s14  }
0x185: {  	[hbm4b:s16+s3] =	stream.linear.scatter [tilespmem:s15], [sflag:$0x4], $0x80, $0x38;
	[tilespmem:$0xAC00] =	vst v63  }
0x186: {  	s19 =	simm.s32 $0x8D30;
	s20 =	sadd.s32 $0x60, s14;
	s15 =	simm.s32 $0x2200  }
0x187: {  	[hbm4b:s18+s3] =	stream.linear.scatter [tilespmem:s17], [sflag:$0x4], $0x80, $0x38;
	[tilespmem:$0xAC00] =	vst v63  }
0x188: {  	s16 =	simm.s32 $0x8DB8;
	s17 =	sadd.s32 $0x70, s14;
	s14 =	sadd.s32 $0x4000, s14  }
0x189: {  	[hbm4b:s20+s3] =	stream.linear.scatter [tilespmem:s19], [sflag:$0x4], $0x80, $0x38;
	[tilespmem:$0xAC00] =	vst v63  }
.LBB2_9:
0x18a: {  	[hbm4b:s17+s3] =	stream.linear.scatter [tilespmem:s16], [sflag:$0x4], $0x80, $0x38;
	[tilespmem:$0xAC00] =	vst v63  }
0x18b: {  	s16 =	smov.u32 s13;
	s13 =	smov.u32 s15  }
0x18c: {  	s18 =	sadd.s32 $0x1100, s15;
	s13 =	sshra.s32 s13, $0x2;
	s17 =	sadd.s32 $0x8A00, s16  }
0x18d: {  	[hbm4b:s14+s3] =	stream.linear.scatter [tilespmem:s17], [sflag:$0x4], $0x80, $0x38;
	[tilespmem:$0xAC00] =	vst v63  }
0x18e: {  	p0 =	sne.s32 s15, $0x7700;
	s15 =	sadd.s32 $0x8A88, s16;
	s17 =	sadd.s32 $0x10, s14  }
0x18f: {  	[hbm4b:s17+s3] =	stream.linear.scatter [tilespmem:s15], [sflag:$0x4], $0x80, $0x38;
	[tilespmem:$0xAC00] =	vst v63  }
0x190: {  	s15 =	sadd.s32 $0x8B10, s16;
	s17 =	sadd.s32 $0x20, s14  }
0x191: {  	[hbm4b:s17+s3] =	stream.linear.scatter [tilespmem:s15], [sflag:$0x4], $0x80, $0x38;
	[tilespmem:$0xAC00] =	vst v63  }
0x192: {  	s15 =	sadd.s32 $0x8B98, s16;
	s17 =	sadd.s32 $0x30, s14  }
0x193: {  	[hbm4b:s17+s3] =	stream.linear.scatter [tilespmem:s15], [sflag:$0x4], $0x80, $0x38;
	[tilespmem:$0xAC00] =	vst v63  }
0x194: {  	s15 =	sadd.s32 $0x8C20, s16;
	s17 =	sadd.s32 $0x40, s14  }
0x195: {  	[hbm4b:s17+s3] =	stream.linear.scatter [tilespmem:s15], [sflag:$0x4], $0x80, $0x38;
	[tilespmem:$0xAC00] =	vst v63  }
.Ltmp3:
0x196: {  	s15 =	sadd.s32 $0x8CA8, s16;
	s17 =	sadd.s32 $0x50, s14;
	(pc) =	sbr.rel @p0 .LBB2_9-.Ltmp3, $4  }
0x197: {  	[hbm4b:s17+s3] =	stream.linear.scatter [tilespmem:s15], [sflag:$0x4], $0x80, $0x38;
	[tilespmem:$0xAC00] =	vst v63  }
0x198: {  	s15 =	sadd.s32 $0x8D30, s16;
	s17 =	sadd.s32 $0x60, s14;
	s16 =	sadd.s32 $0x8DB8, s16  }
0x199: {  	[hbm4b:s17+s3] =	stream.linear.scatter [tilespmem:s15], [sflag:$0x4], $0x80, $0x38;
	[tilespmem:$0xAC00] =	vst v63  }
0x19a: {  	s17 =	sadd.s32 $0x70, s14;
	s14 =	sadd.s32 $0x4000, s14;
	s15 =	smov.u32 s18  }
0x19b: {  	[hbm4b:s17+s3] =	stream.linear.scatter [tilespmem:s16], [sflag:$0x4], $0x80, $0x38;
	[tilespmem:$0xAC00] =	vst v63  }
0x19c: {  	s15 =	sadd.s32 $0x8A00, s13  }
0x19d: {  	[hbm4b:s14+s3] =	stream.linear.scatter [tilespmem:s15], [sflag:$0x4], $0x80, $0x38;
	[tilespmem:$0xAC00] =	vst v63  }
0x19e: {  	s19 =	sadd.s32 $0x8A88, s13;
	s20 =	sadd.s32 $0x10, s14  }
0x19f: {  	[hbm4b:s20+s3] =	stream.linear.scatter [tilespmem:s19], [sflag:$0x4], $0x80, $0x38;
	[tilespmem:$0xAC00] =	vst v63  }
0x1a0: {  	s17 =	sadd.s32 $0x8B10, s13;
	s18 =	sadd.s32 $0x20, s14  }
0x1a1: {  	[hbm4b:s18+s3] =	stream.linear.scatter [tilespmem:s17], [sflag:$0x4], $0x80, $0x38;
	[tilespmem:$0xAC00] =	vst v63  }
0x1a2: {  	s19 =	sadd.s32 $0x8B98, s13;
	s20 =	sadd.s32 $0x30, s14  }
0x1a3: {  	[hbm4b:s20+s3] =	stream.linear.scatter [tilespmem:s19], [sflag:$0x4], $0x80, $0x38;
	[tilespmem:$0xAC00] =	vst v63  }
0x1a4: {  	s17 =	sadd.s32 $0x8C20, s13;
	s18 =	sadd.s32 $0x40, s14  }
0x1a5: {  	[hbm4b:s18+s3] =	stream.linear.scatter [tilespmem:s17], [sflag:$0x4], $0x80, $0x38;
	[tilespmem:$0xAC00] =	vst v63  }
0x1a6: {  	s11 =	sadd.s32 $0x1, s11;
	s19 =	sadd.s32 $0x8CA8, s13;
	s20 =	sadd.s32 $0x50, s14  }
0x1a7: {  	[hbm4b:s20+s3] =	stream.linear.scatter [tilespmem:s19], [sflag:$0x4], $0x80, $0x38;
	[tilespmem:$0xAC00] =	vst v63  }
0x1a8: {  	p0 =	sne.s32 s11, $0x28;
	s17 =	sadd.s32 $0x8D30, s13;
	s18 =	sadd.s32 $0x60, s14  }
0x1a9: {  	[hbm4b:s18+s3] =	stream.linear.scatter [tilespmem:s17], [sflag:$0x4], $0x80, $0x38;
	[tilespmem:$0xAC00] =	vst v63  }
.Ltmp4:
0x1aa: {  	s12 =	smin.u32 s12, $0x4C;
	(pc) =	sbr.rel @p0 .LBB2_2-.Ltmp4, $4  }
0x1ab: {  	s12 =	sshll.u32 s12, $0x7;
	s19 =	sadd.s32 $0x8DB8, s13;
	s20 =	sadd.s32 $0x70, s14  }
0x1ac: {  	[hbm4b:s20+s3] =	stream.linear.scatter [tilespmem:s19], [sflag:$0x4], $0x80, $0x38;
	[tilespmem:$0xAC00] =	vst v63  }
0x1ad: {  	s12 =	sadd.s32 $0x180, s12  }
0x1ae: {  	[tilespmem:s31], [sflag:$0x2] =	stream.indirect.gather [hbm4b:s4+s1], $0x40, s12, s1, $0xb8;
	[tilespmem:$0xAC00] =	vst v63  }
0x1af: {  	_ =	swait.ge [sflag:s0], $0x2000  }
0x1b0: {  	[sflag:s0] =	ssyncset.done $0x0  }
0x1b1: {  	[sflag:s0] =	ssyncadd.s32 $0xFFFFE000  }
0x1b2: {  	_ =	swait.ge [sflag:s6], $0x2000  }
0x1b3: {  	[sflag:s6] =	ssyncset.done $0x0  }
0x1b4: {  	s10 =	sadd.s32 $0x1, s10;
	[sflag:s6] =	ssyncadd.s32 $0xFFFFE000  }
0x1b5: {  	p0 =	sne.s32 s10, s26;
	_ =	swait.ge [sflag:s8], $0x2000  }
.Ltmp5:
0x1b6: {  	[sflag:s8] =	ssyncset.done $0x0;
	(pc) =	sbr.rel @p0 .LBB2_1-.Ltmp5, $4  }
0x1b7: {  	[sflag:s8] =	ssyncadd.s32 $0xFFFFE000  }
0x1b8: {  	_ =	swait.ge [sflag:s9], $0x2000  }
0x1b9: {  	[sflag:s9] =	ssyncset.done $0x0  }
0x1ba: {  	[sflag:s9] =	ssyncadd.s32 $0xFFFFE000  }
0x1bb: {  	_ =	sfence.sel $0x180000  }
0x1bc: {  	[bflag:$0x0] =	sbarrier.arrive $0xFFFF  }
0x1bd: {  	_ =	strace $0x90000047  }
0x1be: {  	s0 =	stileid.u32;
	[bflag:$0x2] =	sbarrier.arrive $0xFFFF  }
0x1bf: {  	p0 =	sne.s32 s0, $0x0;
	s0 =	rddreg [dreg:$0x2]  }
0x1c0: {  	s0 =	sadd.s32 @!p0 $0x100000, s0  }
0x1c1: {  	[sflag:s0] =	ssyncadd.tile.s32 @!p0 $0x1;
	_ =	shalt  }
.Lfunc_end2:
_tile_overlayer_lowered:
.L_overlay_start_2:
0x1c2: {  	(tag) =	ssettag $0x2  }
0x1c3: {  	s0 =	rddreg [dreg:$0x0];
	s2 =	stileid.u32  }
0x1c4: {  	s1 =	rddreg [dreg:$0x1];
	p0 =	sne.s32 s2, $0x0  }
0x1c5: {  	s3 =	rddreg [dreg:$0x2];
	[bflag:$0x3] =	sbarrier.arrive $0xFFFF;
	s2 =	simm.s32 @!p0 $0x1C05  }
0x1c6: {  	[timem:s3], [sflag:s2] =	dma.local @!p0 [hbm:s0], s1  }
0x1c7: {  	s0 =	simm.s32 @!p0 $0x5  }
0x1c8: {  	_ =	swait.ge @!p0 [sflag:s0], s1  }
0x1c9: {  	s1 =	ssub.s32 @!p0 $0x0, s1;
	[sflag:s0] =	ssyncset.done @!p0 $0x0  }
0x1ca: {  	[sflag:s0] =	ssyncadd.s32 @!p0 s1  }
0x1cb: {  	[bflag:$0x3] =	sbarrier.arrive $0xFFFF  }
0x1cc: {  	_ =	shalt  }

</sc_bundles>
